<compile_context>
chip_gen: v7x
topology: tpu7x:2x2x1
jax: 0.10.2.dev20260603
libtpu: 0.0.44.dev20260713+nightly
codegen_flags: <defaults>
</compile_context>

<pallas_src>
import jax
import jax.numpy as jnp
from jax import lax
from jax.experimental import pallas as pl
from jax.experimental.pallas import tpu as pltpu
from jax.experimental.pallas import tpu_sc as plsc

VOCAB = 1000000
B = 16384
D = 32
N_NEG = 20
L = 16
NC = 2
NS = 16
NW = NC * NS
BPW = B // NW

def _sc_body(x_hbm, y_hbm, negt_hbm, wh_hbm, wo_hbm, pos_out, neg_out,
             xi, yi, ni, h, t, a, pos_v, neg_v, sem):
  wid = lax.axis_index("s") * NC + lax.axis_index("c")
  base = wid * BPW

  zero = jnp.zeros((L,), jnp.float32)

  def zrow(i, _):
    a[i, pl.ds(0, L)] = zero
    a[i, pl.ds(L, L)] = zero
    return 0

  lax.fori_loop(0, BPW, zrow, 0)

  pltpu.sync_copy(x_hbm.at[pl.ds(base, BPW)], xi)
  pltpu.sync_copy(y_hbm.at[pl.ds(base, BPW)], yi)
  pltpu.sync_copy(negt_hbm.at[:, pl.ds(base, BPW)], ni)

  cps = [pltpu.async_copy(wh_hbm.at[xi], h, sem),
         pltpu.async_copy(wo_hbm.at[yi], t, sem)]
  cps += [pltpu.async_copy(wo_hbm.at[ni.at[n]], a, sem, add=True)
          for n in range(N_NEG)]
  for cp in cps:
    cp.wait()

  def row16(i, _):
    b = i * L
    rows = b + lax.iota(jnp.int32, L)
    pacc = jnp.zeros((L,), jnp.float32)
    nacc = jnp.zeros((L,), jnp.float32)
    for d in range(D):
      cols = jnp.full((L,), d, jnp.int32)
      hv = plsc.load_gather(h, [rows, cols])
      pacc = pacc + plsc.load_gather(t, [rows, cols]) * hv
      nacc = nacc + plsc.load_gather(a, [rows, cols]) * hv
    pos_v[pl.ds(b, L)] = pacc
    neg_v[pl.ds(b, L)] = nacc
    return 0

  lax.fori_loop(0, BPW // L, row16, 0)

  pltpu.sync_copy(pos_v, pos_out.at[pl.ds(base, BPW)])
  pltpu.sync_copy(neg_v, neg_out.at[pl.ds(base, BPW)])


@jax.jit
def _sc_scores(x, y, neg_t, w_hidden, w_output):
  mesh = plsc.VectorSubcoreMesh(core_axis_name="c", subcore_axis_name="s")
  return pl.kernel(
      _sc_body,
      out_type=(
          jax.ShapeDtypeStruct((B,), jnp.float32),
          jax.ShapeDtypeStruct((B,), jnp.float32),
      ),
      mesh=mesh,
      compiler_params=pltpu.CompilerParams(
          needs_layout_passes=False, use_tc_tiling_on_sc=False),
      scratch_types=[
          pltpu.VMEM((BPW,), jnp.int32),
          pltpu.VMEM((BPW,), jnp.int32),
          pltpu.VMEM((N_NEG, BPW), jnp.int32),
          pltpu.VMEM((BPW, D), jnp.float32),
          pltpu.VMEM((BPW, D), jnp.float32),
          pltpu.VMEM((BPW, D), jnp.float32),
          pltpu.VMEM((BPW,), jnp.float32),
          pltpu.VMEM((BPW,), jnp.float32),
          pltpu.SemaphoreType.DMA,
      ],
  )(x, y, neg_t, w_hidden, w_output)


def _log_sigmoid(z):
  return jnp.minimum(z, 0.0) - jnp.log1p(jnp.exp(-jnp.abs(z)))


def _loss_body(pos_ref, neg_ref, out_ref):
  pos = pos_ref[...]
  neg = -neg_ref[...]
  loss = _log_sigmoid(pos) + _log_sigmoid(neg)
  out_ref[0, 0] = -jnp.sum(loss) / B


@jax.jit
def _tc_loss(pos, neg):
  out = pl.pallas_call(
      _loss_body,
      out_shape=jax.ShapeDtypeStruct((1, 1), jnp.float32),
      out_specs=pl.BlockSpec(memory_space=pltpu.SMEM),
  )(pos.reshape(128, 128), neg.reshape(128, 128))
  return out[0, 0]


def kernel(x, y, negative_batch, W_hidden, W_output):
  xf = x.reshape(B)
  yf = y.reshape(B)
  neg_t = negative_batch.T
  pos, negdot = _sc_scores(xf, yf, neg_t, W_hidden, W_output)
  return _tc_loss(pos, negdot)

# --- scband reference (transcript-rebuilt; emitter-appended) ---
"""Pipeline reference for scband-skip-gram-nega-sampling-67216238183148 (READ-ONLY COPY).

The authoritative reference and input builder live on the scoring server;
editing this copy changes nothing except your own understanding.
"""

import jax, jax.numpy as jnp
import numpy as np

VOCAB = 1000000
EMBED_DIM = 32
BATCH = 16384
N_NEG = 20


def setup_inputs(seed: int = 0) -> dict:
    key = jax.random.key(seed)
    k1, k2, k3, k4, k5 = jax.random.split(key, 5)
    x = jax.random.randint(k1, (BATCH, 1), 0, VOCAB, dtype=jnp.int64 if jax.config.jax_enable_x64 else jnp.int32).astype(jnp.int32)
    y = jax.random.randint(k2, (BATCH, 1), 0, VOCAB).astype(jnp.int32)
    negative_batch = jax.random.randint(k3, (BATCH, N_NEG), 0, VOCAB).astype(jnp.int32)
    W_hidden = jax.random.normal(k4, (VOCAB, EMBED_DIM), dtype=jnp.float32)
    W_output = jax.random.normal(k5, (VOCAB, EMBED_DIM), dtype=jnp.float32)
    return {"x": x, "y": y, "negative_batch": negative_batch, "W_hidden": W_hidden, "W_output": W_output}


def reference(x, y, negative_batch, W_hidden, W_output):
    # embed_hidden = self.embed_hidden(x)           -> [B, 1, D]
    embed_hidden = jnp.take(W_hidden, x, axis=0)
    # embed_target = self.embed_output(y)           -> [B, 1, D]
    embed_target = jnp.take(W_output, y, axis=0)
    # embed_neg = -self.embed_output(negative_batch) -> [B, N_NEG, D]
    embed_neg = -jnp.take(W_output, negative_batch, axis=0)
    # positive_score = embed_target.bmm(embed_hidden.transpose(1, 2)).squeeze(2)  -> [B, 1]
    positive_score = jnp.matmul(embed_target, jnp.swapaxes(embed_hidden, 1, 2)).squeeze(2)
    # negative_score = embed_neg.bmm(...).squeeze(2).sum(dim=1, keepdim=True)     -> [B, 1]
    negative_score = jnp.matmul(embed_neg, jnp.swapaxes(embed_hidden, 1, 2)).squeeze(2)
    negative_score = jnp.sum(negative_score, axis=1, keepdims=True)
    loss = jax.nn.log_sigmoid(positive_score) + jax.nn.log_sigmoid(negative_score)
    return -jnp.mean(loss)

if __name__ == "__main__":
    import jax
    _d = setup_inputs()
    print(jax.jit(kernel)(*tuple(_d.values())))

</pallas_src>

<mosaic_0001>
#map = affine_map<(d0, d1) -> (0)>
#map1 = affine_map<(d0, d1) -> (0, 0)>
module attributes {stable_mosaic.version = 14 : i64} {
  func.func @_sc_body(%arg0: i32, %arg1: i32, %arg2: memref<16384xi32, #tpu.memory_space<hbm>>, %arg3: memref<16384xi32, #tpu.memory_space<hbm>>, %arg4: memref<20x16384xi32, #tpu.memory_space<hbm>>, %arg5: memref<1000000x32xf32, #tpu.memory_space<hbm>>, %arg6: memref<1000000x32xf32, #tpu.memory_space<hbm>>, %arg7: memref<16384xf32, #tpu.memory_space<hbm>>, %arg8: memref<16384xf32, #tpu.memory_space<hbm>>, %arg9: memref<512xi32, #tpu.memory_space<vmem>>, %arg10: memref<512xi32, #tpu.memory_space<vmem>>, %arg11: memref<20x512xi32, #tpu.memory_space<vmem>>, %arg12: memref<512x32xf32, #tpu.memory_space<vmem>>, %arg13: memref<512x32xf32, #tpu.memory_space<vmem>>, %arg14: memref<512x32xf32, #tpu.memory_space<vmem>>, %arg15: memref<512xf32, #tpu.memory_space<vmem>>, %arg16: memref<512xf32, #tpu.memory_space<vmem>>, %arg17: memref<!tpu.dma_semaphore, #tpu.memory_space<semaphore_mem>>) attributes {dimension_semantics = [#tpu.dimension_semantics<core_parallel>, #tpu.dimension_semantics<subcore_parallel>], iteration_bounds = array<i64: 2, 16>, scalar_prefetch = 0 : i64, scratch_operands = 9 : i64, tpu.core_type = #tpu.core_type<sc_vector_subcore>, window_params = [{transform_indices = #map}, {transform_indices = #map}, {transform_indices = #map1}, {transform_indices = #map1}, {transform_indices = #map1}, {transform_indices = #map}, {transform_indices = #map}]} {
    %mul3A = arith.constant 2 : i32
    %mul3A_0 = arith.muli %arg1, %mul3A : i32
    %add3A = arith.addi %mul3A_0, %arg0 : i32
    %mul3A_1 = arith.constant 512 : i32
    %mul3A_2 = arith.muli %add3A, %mul3A_1 : i32
    %broadcast_in_dim3A = arith.constant 0.000000e+00 : f32
    %broadcast_in_dim3A_3 = vector.broadcast %broadcast_in_dim3A : f32 to vector<16xf32>
    %scan3A = arith.constant 0 : i32
    %scan3A_4 = arith.constant 0 : i32
    %scan3A_5 = arith.constant 512 : i32
    %scan3A_6 = arith.addi %scan3A_4, %scan3A_5 : i32
    %scan3A_7 = arith.constant 1 : i32
    %scan3A_8 = scf.for %scan3A_307 = %scan3A_4 to %scan3A_6 step %scan3A_7 iter_args(%scan3A_308 = %scan3A) -> (i32)  : i32 {
      %swap3A = arith.index_cast %scan3A_307 : i32 to index
      %swap3A_309 = arith.constant 0 : index
      %swap3A_310 = tpu.vector_load %arg14[%swap3A, %swap3A_309] {strides = array<i32>} : memref<512x32xf32, #tpu.memory_space<vmem>>, vector<16xf32>,
      tpu.vector_store %arg14[%swap3A, %swap3A_309], %broadcast_in_dim3A_3 {strides = array<i32>} : memref<512x32xf32, #tpu.memory_space<vmem>>, vector<16xf32>,
      %swap3A_311 = arith.index_cast %scan3A_307 : i32 to index
      %swap3A_312 = arith.constant 16 : index
      %swap3A_313 = tpu.vector_load %arg14[%swap3A_311, %swap3A_312] {strides = array<i32>} : memref<512x32xf32, #tpu.memory_space<vmem>>, vector<16xf32>,
      tpu.vector_store %arg14[%swap3A_311, %swap3A_312], %broadcast_in_dim3A_3 {strides = array<i32>} : memref<512x32xf32, #tpu.memory_space<vmem>>, vector<16xf32>,
      %scan3A_314 = arith.constant 0 : i32
      scf.yield %scan3A_314 : i32
    }
    %scan3A_9 = arith.constant 512 : i32
    "tpu.region"() ({
      %run_scoped3A = tpu.sem_alloc : memref<!tpu.dma_semaphore, #tpu.memory_space<semaphore_mem>>
      %dma_start3A_307 = tpu.memref_slice %arg2[%mul3A_2] : memref<16384xi32, #tpu.memory_space<hbm>> -> memref<512xi32, #tpu.memory_space<hbm>>
      %dma_start3A_308 = tpu.memref_slice %arg2[%mul3A_2] : memref<16384xi32, #tpu.memory_space<hbm>> -> memref<512xi32, #tpu.memory_space<hbm>>
      tpu.enqueue_dma source(%dma_start3A_308 : memref<512xi32, #tpu.memory_space<hbm>>) target(%arg9 : memref<512xi32, #tpu.memory_space<vmem>>) target_semaphore(%run_scoped3A : memref<!tpu.dma_semaphore, #tpu.memory_space<semaphore_mem>>)
      %dma_wait3A_309 = tpu.memref_slice %arg2[%mul3A_2] : memref<16384xi32, #tpu.memory_space<hbm>> -> memref<512xi32, #tpu.memory_space<hbm>>
      %dma_wait3A_310 = tpu.memref_slice %arg2[%mul3A_2] : memref<16384xi32, #tpu.memory_space<hbm>> -> memref<512xi32, #tpu.memory_space<hbm>>
      tpu.wait_dma2 semaphore(%run_scoped3A : memref<!tpu.dma_semaphore, #tpu.memory_space<semaphore_mem>>) src(%dma_wait3A_310 : memref<512xi32, #tpu.memory_space<hbm>>) dst(%arg9 : memref<512xi32, #tpu.memory_space<vmem>>)
      tpu.yield
    }) : () -> ()
    "tpu.region"() ({
      %run_scoped3A = tpu.sem_alloc : memref<!tpu.dma_semaphore, #tpu.memory_space<semaphore_mem>>
      %dma_start3A_307 = tpu.memref_slice %arg3[%mul3A_2] : memref<16384xi32, #tpu.memory_space<hbm>> -> memref<512xi32, #tpu.memory_space<hbm>>
      %dma_start3A_308 = tpu.memref_slice %arg3[%mul3A_2] : memref<16384xi32, #tpu.memory_space<hbm>> -> memref<512xi32, #tpu.memory_space<hbm>>
      tpu.enqueue_dma source(%dma_start3A_308 : memref<512xi32, #tpu.memory_space<hbm>>) target(%arg10 : memref<512xi32, #tpu.memory_space<vmem>>) target_semaphore(%run_scoped3A : memref<!tpu.dma_semaphore, #tpu.memory_space<semaphore_mem>>)
      %dma_wait3A_309 = tpu.memref_slice %arg3[%mul3A_2] : memref<16384xi32, #tpu.memory_space<hbm>> -> memref<512xi32, #tpu.memory_space<hbm>>
      %dma_wait3A_310 = tpu.memref_slice %arg3[%mul3A_2] : memref<16384xi32, #tpu.memory_space<hbm>> -> memref<512xi32, #tpu.memory_space<hbm>>
      tpu.wait_dma2 semaphore(%run_scoped3A : memref<!tpu.dma_semaphore, #tpu.memory_space<semaphore_mem>>) src(%dma_wait3A_310 : memref<512xi32, #tpu.memory_space<hbm>>) dst(%arg10 : memref<512xi32, #tpu.memory_space<vmem>>)
      tpu.yield
    }) : () -> ()
    "tpu.region"() ({
      %run_scoped3A = tpu.sem_alloc : memref<!tpu.dma_semaphore, #tpu.memory_space<semaphore_mem>>
      %dma_start3A_307 = arith.constant 0 : i32
      %dma_start3A_308 = tpu.memref_slice %arg4[%dma_start3A_307, %mul3A_2] : memref<20x16384xi32, #tpu.memory_space<hbm>> -> memref<20x512xi32, #tpu.memory_space<hbm>>
      %dma_start3A_309 = arith.constant 0 : i32
      %dma_start3A_310 = tpu.memref_slice %arg4[%dma_start3A_309, %mul3A_2] : memref<20x16384xi32, #tpu.memory_space<hbm>> -> memref<20x512xi32, #tpu.memory_space<hbm>>
      tpu.enqueue_dma source(%dma_start3A_310 : memref<20x512xi32, #tpu.memory_space<hbm>>) target(%arg11 : memref<20x512xi32, #tpu.memory_space<vmem>>) target_semaphore(%run_scoped3A : memref<!tpu.dma_semaphore, #tpu.memory_space<semaphore_mem>>)
      %dma_wait3A_311 = arith.constant 0 : i32
      %dma_wait3A_312 = tpu.memref_slice %arg4[%dma_wait3A_311, %mul3A_2] : memref<20x16384xi32, #tpu.memory_space<hbm>> -> memref<20x512xi32, #tpu.memory_space<hbm>>
      %dma_wait3A_313 = arith.constant 0 : i32
      %dma_wait3A_314 = tpu.memref_slice %arg4[%dma_wait3A_313, %mul3A_2] : memref<20x16384xi32, #tpu.memory_space<hbm>> -> memref<20x512xi32, #tpu.memory_space<hbm>>
      tpu.wait_dma2 semaphore(%run_scoped3A : memref<!tpu.dma_semaphore, #tpu.memory_space<semaphore_mem>>) src(%dma_wait3A_314 : memref<20x512xi32, #tpu.memory_space<hbm>>) dst(%arg11 : memref<20x512xi32, #tpu.memory_space<vmem>>)
      tpu.yield
    }) : () -> ()
    %dma_start3A = arith.constant 0 : i32
    %dma_start3A_10 = arith.constant 0 : i32
    %dma_start3A_11 = tpu.memref_slice %arg5[%dma_start3A, %dma_start3A_10] : memref<1000000x32xf32, #tpu.memory_space<hbm>> -> memref<1000000x32xf32, #tpu.memory_space<hbm>>
    tpu.enqueue_indirect_dma source(%dma_start3A_11 : memref<1000000x32xf32, #tpu.memory_space<hbm>>) target(%arg12 : memref<512x32xf32, #tpu.memory_space<vmem>>) offsets(%arg9 : memref<512xi32, #tpu.memory_space<vmem>>) semaphore(%arg17 : memref<!tpu.dma_semaphore, #tpu.memory_space<semaphore_mem>>)
    %dma_start3A_12 = arith.constant 0 : i32
    %dma_start3A_13 = arith.constant 0 : i32
    %dma_start3A_14 = tpu.memref_slice %arg6[%dma_start3A_12, %dma_start3A_13] : memref<1000000x32xf32, #tpu.memory_space<hbm>> -> memref<1000000x32xf32, #tpu.memory_space<hbm>>
    tpu.enqueue_indirect_dma source(%dma_start3A_14 : memref<1000000x32xf32, #tpu.memory_space<hbm>>) target(%arg13 : memref<512x32xf32, #tpu.memory_space<vmem>>) offsets(%arg10 : memref<512xi32, #tpu.memory_space<vmem>>) semaphore(%arg17 : memref<!tpu.dma_semaphore, #tpu.memory_space<semaphore_mem>>)
    %dma_start3A_15 = arith.constant 0 : i32
    %dma_start3A_16 = arith.constant 0 : i32
    %dma_start3A_17 = tpu.memref_slice %arg11[%dma_start3A_15, %dma_start3A_16] : memref<20x512xi32, #tpu.memory_space<vmem>> -> memref<1x512xi32, #tpu.memory_space<vmem>>
    %dma_start3A_18 = tpu.memref_squeeze %dma_start3A_17 : memref<1x512xi32, #tpu.memory_space<vmem>> -> memref<512xi32, #tpu.memory_space<vmem>>
    %dma_start3A_19 = arith.constant 0 : i32
    %dma_start3A_20 = arith.constant 0 : i32
    %dma_start3A_21 = tpu.memref_slice %arg6[%dma_start3A_19, %dma_start3A_20] : memref<1000000x32xf32, #tpu.memory_space<hbm>> -> memref<1000000x32xf32, #tpu.memory_space<hbm>>
    tpu.enqueue_indirect_dma source(%dma_start3A_21 : memref<1000000x32xf32, #tpu.memory_space<hbm>>) target(%arg14 : memref<512x32xf32, #tpu.memory_space<vmem>>) offsets(%dma_start3A_18 : memref<512xi32, #tpu.memory_space<vmem>>) semaphore(%arg17 : memref<!tpu.dma_semaphore, #tpu.memory_space<semaphore_mem>>) {add = true}
    %dma_start3A_22 = arith.constant 1 : i32
    %dma_start3A_23 = arith.constant 0 : i32
    %dma_start3A_24 = tpu.memref_slice %arg11[%dma_start3A_22, %dma_start3A_23] : memref<20x512xi32, #tpu.memory_space<vmem>> -> memref<1x512xi32, #tpu.memory_space<vmem>>
    %dma_start3A_25 = tpu.memref_squeeze %dma_start3A_24 : memref<1x512xi32, #tpu.memory_space<vmem>> -> memref<512xi32, #tpu.memory_space<vmem>>
    %dma_start3A_26 = arith.constant 0 : i32
    %dma_start3A_27 = arith.constant 0 : i32
    %dma_start3A_28 = tpu.memref_slice %arg6[%dma_start3A_26, %dma_start3A_27] : memref<1000000x32xf32, #tpu.memory_space<hbm>> -> memref<1000000x32xf32, #tpu.memory_space<hbm>>
    tpu.enqueue_indirect_dma source(%dma_start3A_28 : memref<1000000x32xf32, #tpu.memory_space<hbm>>) target(%arg14 : memref<512x32xf32, #tpu.memory_space<vmem>>) offsets(%dma_start3A_25 : memref<512xi32, #tpu.memory_space<vmem>>) semaphore(%arg17 : memref<!tpu.dma_semaphore, #tpu.memory_space<semaphore_mem>>) {add = true}
    %dma_start3A_29 = arith.constant 2 : i32
    %dma_start3A_30 = arith.constant 0 : i32
    %dma_start3A_31 = tpu.memref_slice %arg11[%dma_start3A_29, %dma_start3A_30] : memref<20x512xi32, #tpu.memory_space<vmem>> -> memref<1x512xi32, #tpu.memory_space<vmem>>
    %dma_start3A_32 = tpu.memref_squeeze %dma_start3A_31 : memref<1x512xi32, #tpu.memory_space<vmem>> -> memref<512xi32, #tpu.memory_space<vmem>>
    %dma_start3A_33 = arith.constant 0 : i32
    %dma_start3A_34 = arith.constant 0 : i32
    %dma_start3A_35 = tpu.memref_slice %arg6[%dma_start3A_33, %dma_start3A_34] : memref<1000000x32xf32, #tpu.memory_space<hbm>> -> memref<1000000x32xf32, #tpu.memory_space<hbm>>
    tpu.enqueue_indirect_dma source(%dma_start3A_35 : memref<1000000x32xf32, #tpu.memory_space<hbm>>) target(%arg14 : memref<512x32xf32, #tpu.memory_space<vmem>>) offsets(%dma_start3A_32 : memref<512xi32, #tpu.memory_space<vmem>>) semaphore(%arg17 : memref<!tpu.dma_semaphore, #tpu.memory_space<semaphore_mem>>) {add = true}
    %dma_start3A_36 = arith.constant 3 : i32
    %dma_start3A_37 = arith.constant 0 : i32
    %dma_start3A_38 = tpu.memref_slice %arg11[%dma_start3A_36, %dma_start3A_37] : memref<20x512xi32, #tpu.memory_space<vmem>> -> memref<1x512xi32, #tpu.memory_space<vmem>>
    %dma_start3A_39 = tpu.memref_squeeze %dma_start3A_38 : memref<1x512xi32, #tpu.memory_space<vmem>> -> memref<512xi32, #tpu.memory_space<vmem>>
    %dma_start3A_40 = arith.constant 0 : i32
    %dma_start3A_41 = arith.constant 0 : i32
    %dma_start3A_42 = tpu.memref_slice %arg6[%dma_start3A_40, %dma_start3A_41] : memref<1000000x32xf32, #tpu.memory_space<hbm>> -> memref<1000000x32xf32, #tpu.memory_space<hbm>>
    tpu.enqueue_indirect_dma source(%dma_start3A_42 : memref<1000000x32xf32, #tpu.memory_space<hbm>>) target(%arg14 : memref<512x32xf32, #tpu.memory_space<vmem>>) offsets(%dma_start3A_39 : memref<512xi32, #tpu.memory_space<vmem>>) semaphore(%arg17 : memref<!tpu.dma_semaphore, #tpu.memory_space<semaphore_mem>>) {add = true}
    %dma_start3A_43 = arith.constant 4 : i32
    %dma_start3A_44 = arith.constant 0 : i32
    %dma_start3A_45 = tpu.memref_slice %arg11[%dma_start3A_43, %dma_start3A_44] : memref<20x512xi32, #tpu.memory_space<vmem>> -> memref<1x512xi32, #tpu.memory_space<vmem>>
    %dma_start3A_46 = tpu.memref_squeeze %dma_start3A_45 : memref<1x512xi32, #tpu.memory_space<vmem>> -> memref<512xi32, #tpu.memory_space<vmem>>
    %dma_start3A_47 = arith.constant 0 : i32
    %dma_start3A_48 = arith.constant 0 : i32
    %dma_start3A_49 = tpu.memref_slice %arg6[%dma_start3A_47, %dma_start3A_48] : memref<1000000x32xf32, #tpu.memory_space<hbm>> -> memref<1000000x32xf32, #tpu.memory_space<hbm>>
    tpu.enqueue_indirect_dma source(%dma_start3A_49 : memref<1000000x32xf32, #tpu.memory_space<hbm>>) target(%arg14 : memref<512x32xf32, #tpu.memory_space<vmem>>) offsets(%dma_start3A_46 : memref<512xi32, #tpu.memory_space<vmem>>) semaphore(%arg17 : memref<!tpu.dma_semaphore, #tpu.memory_space<semaphore_mem>>) {add = true}
    %dma_start3A_50 = arith.constant 5 : i32
    %dma_start3A_51 = arith.constant 0 : i32
    %dma_start3A_52 = tpu.memref_slice %arg11[%dma_start3A_50, %dma_start3A_51] : memref<20x512xi32, #tpu.memory_space<vmem>> -> memref<1x512xi32, #tpu.memory_space<vmem>>
    %dma_start3A_53 = tpu.memref_squeeze %dma_start3A_52 : memref<1x512xi32, #tpu.memory_space<vmem>> -> memref<512xi32, #tpu.memory_space<vmem>>
    %dma_start3A_54 = arith.constant 0 : i32
    %dma_start3A_55 = arith.constant 0 : i32
    %dma_start3A_56 = tpu.memref_slice %arg6[%dma_start3A_54, %dma_start3A_55] : memref<1000000x32xf32, #tpu.memory_space<hbm>> -> memref<1000000x32xf32, #tpu.memory_space<hbm>>
    tpu.enqueue_indirect_dma source(%dma_start3A_56 : memref<1000000x32xf32, #tpu.memory_space<hbm>>) target(%arg14 : memref<512x32xf32, #tpu.memory_space<vmem>>) offsets(%dma_start3A_53 : memref<512xi32, #tpu.memory_space<vmem>>) semaphore(%arg17 : memref<!tpu.dma_semaphore, #tpu.memory_space<semaphore_mem>>) {add = true}
    %dma_start3A_57 = arith.constant 6 : i32
    %dma_start3A_58 = arith.constant 0 : i32
    %dma_start3A_59 = tpu.memref_slice %arg11[%dma_start3A_57, %dma_start3A_58] : memref<20x512xi32, #tpu.memory_space<vmem>> -> memref<1x512xi32, #tpu.memory_space<vmem>>
    %dma_start3A_60 = tpu.memref_squeeze %dma_start3A_59 : memref<1x512xi32, #tpu.memory_space<vmem>> -> memref<512xi32, #tpu.memory_space<vmem>>
    %dma_start3A_61 = arith.constant 0 : i32
    %dma_start3A_62 = arith.constant 0 : i32
    %dma_start3A_63 = tpu.memref_slice %arg6[%dma_start3A_61, %dma_start3A_62] : memref<1000000x32xf32, #tpu.memory_space<hbm>> -> memref<1000000x32xf32, #tpu.memory_space<hbm>>
    tpu.enqueue_indirect_dma source(%dma_start3A_63 : memref<1000000x32xf32, #tpu.memory_space<hbm>>) target(%arg14 : memref<512x32xf32, #tpu.memory_space<vmem>>) offsets(%dma_start3A_60 : memref<512xi32, #tpu.memory_space<vmem>>) semaphore(%arg17 : memref<!tpu.dma_semaphore, #tpu.memory_space<semaphore_mem>>) {add = true}
    %dma_start3A_64 = arith.constant 7 : i32
    %dma_start3A_65 = arith.constant 0 : i32
    %dma_start3A_66 = tpu.memref_slice %arg11[%dma_start3A_64, %dma_start3A_65] : memref<20x512xi32, #tpu.memory_space<vmem>> -> memref<1x512xi32, #tpu.memory_space<vmem>>
    %dma_start3A_67 = tpu.memref_squeeze %dma_start3A_66 : memref<1x512xi32, #tpu.memory_space<vmem>> -> memref<512xi32, #tpu.memory_space<vmem>>
    %dma_start3A_68 = arith.constant 0 : i32
    %dma_start3A_69 = arith.constant 0 : i32
    %dma_start3A_70 = tpu.memref_slice %arg6[%dma_start3A_68, %dma_start3A_69] : memref<1000000x32xf32, #tpu.memory_space<hbm>> -> memref<1000000x32xf32, #tpu.memory_space<hbm>>
    tpu.enqueue_indirect_dma source(%dma_start3A_70 : memref<1000000x32xf32, #tpu.memory_space<hbm>>) target(%arg14 : memref<512x32xf32, #tpu.memory_space<vmem>>) offsets(%dma_start3A_67 : memref<512xi32, #tpu.memory_space<vmem>>) semaphore(%arg17 : memref<!tpu.dma_semaphore, #tpu.memory_space<semaphore_mem>>) {add = true}
    %dma_start3A_71 = arith.constant 8 : i32
    %dma_start3A_72 = arith.constant 0 : i32
    %dma_start3A_73 = tpu.memref_slice %arg11[%dma_start3A_71, %dma_start3A_72] : memref<20x512xi32, #tpu.memory_space<vmem>> -> memref<1x512xi32, #tpu.memory_space<vmem>>
    %dma_start3A_74 = tpu.memref_squeeze %dma_start3A_73 : memref<1x512xi32, #tpu.memory_space<vmem>> -> memref<512xi32, #tpu.memory_space<vmem>>
    %dma_start3A_75 = arith.constant 0 : i32
    %dma_start3A_76 = arith.constant 0 : i32
    %dma_start3A_77 = tpu.memref_slice %arg6[%dma_start3A_75, %dma_start3A_76] : memref<1000000x32xf32, #tpu.memory_space<hbm>> -> memref<1000000x32xf32, #tpu.memory_space<hbm>>
    tpu.enqueue_indirect_dma source(%dma_start3A_77 : memref<1000000x32xf32, #tpu.memory_space<hbm>>) target(%arg14 : memref<512x32xf32, #tpu.memory_space<vmem>>) offsets(%dma_start3A_74 : memref<512xi32, #tpu.memory_space<vmem>>) semaphore(%arg17 : memref<!tpu.dma_semaphore, #tpu.memory_space<semaphore_mem>>) {add = true}
    %dma_start3A_78 = arith.constant 9 : i32
    %dma_start3A_79 = arith.constant 0 : i32
    %dma_start3A_80 = tpu.memref_slice %arg11[%dma_start3A_78, %dma_start3A_79] : memref<20x512xi32, #tpu.memory_space<vmem>> -> memref<1x512xi32, #tpu.memory_space<vmem>>
    %dma_start3A_81 = tpu.memref_squeeze %dma_start3A_80 : memref<1x512xi32, #tpu.memory_space<vmem>> -> memref<512xi32, #tpu.memory_space<vmem>>
    %dma_start3A_82 = arith.constant 0 : i32
    %dma_start3A_83 = arith.constant 0 : i32
    %dma_start3A_84 = tpu.memref_slice %arg6[%dma_start3A_82, %dma_start3A_83] : memref<1000000x32xf32, #tpu.memory_space<hbm>> -> memref<1000000x32xf32, #tpu.memory_space<hbm>>
    tpu.enqueue_indirect_dma source(%dma_start3A_84 : memref<1000000x32xf32, #tpu.memory_space<hbm>>) target(%arg14 : memref<512x32xf32, #tpu.memory_space<vmem>>) offsets(%dma_start3A_81 : memref<512xi32, #tpu.memory_space<vmem>>) semaphore(%arg17 : memref<!tpu.dma_semaphore, #tpu.memory_space<semaphore_mem>>) {add = true}
    %dma_start3A_85 = arith.constant 10 : i32
    %dma_start3A_86 = arith.constant 0 : i32
    %dma_start3A_87 = tpu.memref_slice %arg11[%dma_start3A_85, %dma_start3A_86] : memref<20x512xi32, #tpu.memory_space<vmem>> -> memref<1x512xi32, #tpu.memory_space<vmem>>
    %dma_start3A_88 = tpu.memref_squeeze %dma_start3A_87 : memref<1x512xi32, #tpu.memory_space<vmem>> -> memref<512xi32, #tpu.memory_space<vmem>>
    %dma_start3A_89 = arith.constant 0 : i32
    %dma_start3A_90 = arith.constant 0 : i32
    %dma_start3A_91 = tpu.memref_slice %arg6[%dma_start3A_89, %dma_start3A_90] : memref<1000000x32xf32, #tpu.memory_space<hbm>> -> memref<1000000x32xf32, #tpu.memory_space<hbm>>
    tpu.enqueue_indirect_dma source(%dma_start3A_91 : memref<1000000x32xf32, #tpu.memory_space<hbm>>) target(%arg14 : memref<512x32xf32, #tpu.memory_space<vmem>>) offsets(%dma_start3A_88 : memref<512xi32, #tpu.memory_space<vmem>>) semaphore(%arg17 : memref<!tpu.dma_semaphore, #tpu.memory_space<semaphore_mem>>) {add = true}
    %dma_start3A_92 = arith.constant 11 : i32
    %dma_start3A_93 = arith.constant 0 : i32
    %dma_start3A_94 = tpu.memref_slice %arg11[%dma_start3A_92, %dma_start3A_93] : memref<20x512xi32, #tpu.memory_space<vmem>> -> memref<1x512xi32, #tpu.memory_space<vmem>>
    %dma_start3A_95 = tpu.memref_squeeze %dma_start3A_94 : memref<1x512xi32, #tpu.memory_space<vmem>> -> memref<512xi32, #tpu.memory_space<vmem>>
    %dma_start3A_96 = arith.constant 0 : i32
    %dma_start3A_97 = arith.constant 0 : i32
    %dma_start3A_98 = tpu.memref_slice %arg6[%dma_start3A_96, %dma_start3A_97] : memref<1000000x32xf32, #tpu.memory_space<hbm>> -> memref<1000000x32xf32, #tpu.memory_space<hbm>>
    tpu.enqueue_indirect_dma source(%dma_start3A_98 : memref<1000000x32xf32, #tpu.memory_space<hbm>>) target(%arg14 : memref<512x32xf32, #tpu.memory_space<vmem>>) offsets(%dma_start3A_95 : memref<512xi32, #tpu.memory_space<vmem>>) semaphore(%arg17 : memref<!tpu.dma_semaphore, #tpu.memory_space<semaphore_mem>>) {add = true}
    %dma_start3A_99 = arith.constant 12 : i32
    %dma_start3A_100 = arith.constant 0 : i32
    %dma_start3A_101 = tpu.memref_slice %arg11[%dma_start3A_99, %dma_start3A_100] : memref<20x512xi32, #tpu.memory_space<vmem>> -> memref<1x512xi32, #tpu.memory_space<vmem>>
    %dma_start3A_102 = tpu.memref_squeeze %dma_start3A_101 : memref<1x512xi32, #tpu.memory_space<vmem>> -> memref<512xi32, #tpu.memory_space<vmem>>
    %dma_start3A_103 = arith.constant 0 : i32
    %dma_start3A_104 = arith.constant 0 : i32
    %dma_start3A_105 = tpu.memref_slice %arg6[%dma_start3A_103, %dma_start3A_104] : memref<1000000x32xf32, #tpu.memory_space<hbm>> -> memref<1000000x32xf32, #tpu.memory_space<hbm>>
    tpu.enqueue_indirect_dma source(%dma_start3A_105 : memref<1000000x32xf32, #tpu.memory_space<hbm>>) target(%arg14 : memref<512x32xf32, #tpu.memory_space<vmem>>) offsets(%dma_start3A_102 : memref<512xi32, #tpu.memory_space<vmem>>) semaphore(%arg17 : memref<!tpu.dma_semaphore, #tpu.memory_space<semaphore_mem>>) {add = true}
    %dma_start3A_106 = arith.constant 13 : i32
    %dma_start3A_107 = arith.constant 0 : i32
    %dma_start3A_108 = tpu.memref_slice %arg11[%dma_start3A_106, %dma_start3A_107] : memref<20x512xi32, #tpu.memory_space<vmem>> -> memref<1x512xi32, #tpu.memory_space<vmem>>
    %dma_start3A_109 = tpu.memref_squeeze %dma_start3A_108 : memref<1x512xi32, #tpu.memory_space<vmem>> -> memref<512xi32, #tpu.memory_space<vmem>>
    %dma_start3A_110 = arith.constant 0 : i32
    %dma_start3A_111 = arith.constant 0 : i32
    %dma_start3A_112 = tpu.memref_slice %arg6[%dma_start3A_110, %dma_start3A_111] : memref<1000000x32xf32, #tpu.memory_space<hbm>> -> memref<1000000x32xf32, #tpu.memory_space<hbm>>
    tpu.enqueue_indirect_dma source(%dma_start3A_112 : memref<1000000x32xf32, #tpu.memory_space<hbm>>) target(%arg14 : memref<512x32xf32, #tpu.memory_space<vmem>>) offsets(%dma_start3A_109 : memref<512xi32, #tpu.memory_space<vmem>>) semaphore(%arg17 : memref<!tpu.dma_semaphore, #tpu.memory_space<semaphore_mem>>) {add = true}
    %dma_start3A_113 = arith.constant 14 : i32
    %dma_start3A_114 = arith.constant 0 : i32
    %dma_start3A_115 = tpu.memref_slice %arg11[%dma_start3A_113, %dma_start3A_114] : memref<20x512xi32, #tpu.memory_space<vmem>> -> memref<1x512xi32, #tpu.memory_space<vmem>>
    %dma_start3A_116 = tpu.memref_squeeze %dma_start3A_115 : memref<1x512xi32, #tpu.memory_space<vmem>> -> memref<512xi32, #tpu.memory_space<vmem>>
    %dma_start3A_117 = arith.constant 0 : i32
    %dma_start3A_118 = arith.constant 0 : i32
    %dma_start3A_119 = tpu.memref_slice %arg6[%dma_start3A_117, %dma_start3A_118] : memref<1000000x32xf32, #tpu.memory_space<hbm>> -> memref<1000000x32xf32, #tpu.memory_space<hbm>>
    tpu.enqueue_indirect_dma source(%dma_start3A_119 : memref<1000000x32xf32, #tpu.memory_space<hbm>>) target(%arg14 : memref<512x32xf32, #tpu.memory_space<vmem>>) offsets(%dma_start3A_116 : memref<512xi32, #tpu.memory_space<vmem>>) semaphore(%arg17 : memref<!tpu.dma_semaphore, #tpu.memory_space<semaphore_mem>>) {add = true}
    %dma_start3A_120 = arith.constant 15 : i32
    %dma_start3A_121 = arith.constant 0 : i32
    %dma_start3A_122 = tpu.memref_slice %arg11[%dma_start3A_120, %dma_start3A_121] : memref<20x512xi32, #tpu.memory_space<vmem>> -> memref<1x512xi32, #tpu.memory_space<vmem>>
    %dma_start3A_123 = tpu.memref_squeeze %dma_start3A_122 : memref<1x512xi32, #tpu.memory_space<vmem>> -> memref<512xi32, #tpu.memory_space<vmem>>
    %dma_start3A_124 = arith.constant 0 : i32
    %dma_start3A_125 = arith.constant 0 : i32
    %dma_start3A_126 = tpu.memref_slice %arg6[%dma_start3A_124, %dma_start3A_125] : memref<1000000x32xf32, #tpu.memory_space<hbm>> -> memref<1000000x32xf32, #tpu.memory_space<hbm>>
    tpu.enqueue_indirect_dma source(%dma_start3A_126 : memref<1000000x32xf32, #tpu.memory_space<hbm>>) target(%arg14 : memref<512x32xf32, #tpu.memory_space<vmem>>) offsets(%dma_start3A_123 : memref<512xi32, #tpu.memory_space<vmem>>) semaphore(%arg17 : memref<!tpu.dma_semaphore, #tpu.memory_space<semaphore_mem>>) {add = true}
    %dma_start3A_127 = arith.constant 16 : i32
    %dma_start3A_128 = arith.constant 0 : i32
    %dma_start3A_129 = tpu.memref_slice %arg11[%dma_start3A_127, %dma_start3A_128] : memref<20x512xi32, #tpu.memory_space<vmem>> -> memref<1x512xi32, #tpu.memory_space<vmem>>
    %dma_start3A_130 = tpu.memref_squeeze %dma_start3A_129 : memref<1x512xi32, #tpu.memory_space<vmem>> -> memref<512xi32, #tpu.memory_space<vmem>>
    %dma_start3A_131 = arith.constant 0 : i32
    %dma_start3A_132 = arith.constant 0 : i32
    %dma_start3A_133 = tpu.memref_slice %arg6[%dma_start3A_131, %dma_start3A_132] : memref<1000000x32xf32, #tpu.memory_space<hbm>> -> memref<1000000x32xf32, #tpu.memory_space<hbm>>
    tpu.enqueue_indirect_dma source(%dma_start3A_133 : memref<1000000x32xf32, #tpu.memory_space<hbm>>) target(%arg14 : memref<512x32xf32, #tpu.memory_space<vmem>>) offsets(%dma_start3A_130 : memref<512xi32, #tpu.memory_space<vmem>>) semaphore(%arg17 : memref<!tpu.dma_semaphore, #tpu.memory_space<semaphore_mem>>) {add = true}
    %dma_start3A_134 = arith.constant 17 : i32
    %dma_start3A_135 = arith.constant 0 : i32
    %dma_start3A_136 = tpu.memref_slice %arg11[%dma_start3A_134, %dma_start3A_135] : memref<20x512xi32, #tpu.memory_space<vmem>> -> memref<1x512xi32, #tpu.memory_space<vmem>>
    %dma_start3A_137 = tpu.memref_squeeze %dma_start3A_136 : memref<1x512xi32, #tpu.memory_space<vmem>> -> memref<512xi32, #tpu.memory_space<vmem>>
    %dma_start3A_138 = arith.constant 0 : i32
    %dma_start3A_139 = arith.constant 0 : i32
    %dma_start3A_140 = tpu.memref_slice %arg6[%dma_start3A_138, %dma_start3A_139] : memref<1000000x32xf32, #tpu.memory_space<hbm>> -> memref<1000000x32xf32, #tpu.memory_space<hbm>>
    tpu.enqueue_indirect_dma source(%dma_start3A_140 : memref<1000000x32xf32, #tpu.memory_space<hbm>>) target(%arg14 : memref<512x32xf32, #tpu.memory_space<vmem>>) offsets(%dma_start3A_137 : memref<512xi32, #tpu.memory_space<vmem>>) semaphore(%arg17 : memref<!tpu.dma_semaphore, #tpu.memory_space<semaphore_mem>>) {add = true}
    %dma_start3A_141 = arith.constant 18 : i32
    %dma_start3A_142 = arith.constant 0 : i32
    %dma_start3A_143 = tpu.memref_slice %arg11[%dma_start3A_141, %dma_start3A_142] : memref<20x512xi32, #tpu.memory_space<vmem>> -> memref<1x512xi32, #tpu.memory_space<vmem>>
    %dma_start3A_144 = tpu.memref_squeeze %dma_start3A_143 : memref<1x512xi32, #tpu.memory_space<vmem>> -> memref<512xi32, #tpu.memory_space<vmem>>
    %dma_start3A_145 = arith.constant 0 : i32
    %dma_start3A_146 = arith.constant 0 : i32
    %dma_start3A_147 = tpu.memref_slice %arg6[%dma_start3A_145, %dma_start3A_146] : memref<1000000x32xf32, #tpu.memory_space<hbm>> -> memref<1000000x32xf32, #tpu.memory_space<hbm>>
    tpu.enqueue_indirect_dma source(%dma_start3A_147 : memref<1000000x32xf32, #tpu.memory_space<hbm>>) target(%arg14 : memref<512x32xf32, #tpu.memory_space<vmem>>) offsets(%dma_start3A_144 : memref<512xi32, #tpu.memory_space<vmem>>) semaphore(%arg17 : memref<!tpu.dma_semaphore, #tpu.memory_space<semaphore_mem>>) {add = true}
    %dma_start3A_148 = arith.constant 19 : i32
    %dma_start3A_149 = arith.constant 0 : i32
    %dma_start3A_150 = tpu.memref_slice %arg11[%dma_start3A_148, %dma_start3A_149] : memref<20x512xi32, #tpu.memory_space<vmem>> -> memref<1x512xi32, #tpu.memory_space<vmem>>
    %dma_start3A_151 = tpu.memref_squeeze %dma_start3A_150 : memref<1x512xi32, #tpu.memory_space<vmem>> -> memref<512xi32, #tpu.memory_space<vmem>>
    %dma_start3A_152 = arith.constant 0 : i32
    %dma_start3A_153 = arith.constant 0 : i32
    %dma_start3A_154 = tpu.memref_slice %arg6[%dma_start3A_152, %dma_start3A_153] : memref<1000000x32xf32, #tpu.memory_space<hbm>> -> memref<1000000x32xf32, #tpu.memory_space<hbm>>
    tpu.enqueue_indirect_dma source(%dma_start3A_154 : memref<1000000x32xf32, #tpu.memory_space<hbm>>) target(%arg14 : memref<512x32xf32, #tpu.memory_space<vmem>>) offsets(%dma_start3A_151 : memref<512xi32, #tpu.memory_space<vmem>>) semaphore(%arg17 : memref<!tpu.dma_semaphore, #tpu.memory_space<semaphore_mem>>) {add = true}
    %dma_wait3A = arith.constant 0 : i32
    %dma_wait3A_155 = arith.constant 0 : i32
    %dma_wait3A_156 = tpu.memref_slice %arg5[%dma_wait3A, %dma_wait3A_155] : memref<1000000x32xf32, #tpu.memory_space<hbm>> -> memref<1000000x32xf32, #tpu.memory_space<hbm>>
    tpu.wait_indirect_dma semaphore(%arg17 : memref<!tpu.dma_semaphore, #tpu.memory_space<semaphore_mem>>) src(%dma_wait3A_156 : memref<1000000x32xf32, #tpu.memory_space<hbm>>) dst(%arg12 : memref<512x32xf32, #tpu.memory_space<vmem>>)
    %dma_wait3A_157 = arith.constant 0 : i32
    %dma_wait3A_158 = arith.constant 0 : i32
    %dma_wait3A_159 = tpu.memref_slice %arg6[%dma_wait3A_157, %dma_wait3A_158] : memref<1000000x32xf32, #tpu.memory_space<hbm>> -> memref<1000000x32xf32, #tpu.memory_space<hbm>>
    tpu.wait_indirect_dma semaphore(%arg17 : memref<!tpu.dma_semaphore, #tpu.memory_space<semaphore_mem>>) src(%dma_wait3A_159 : memref<1000000x32xf32, #tpu.memory_space<hbm>>) dst(%arg13 : memref<512x32xf32, #tpu.memory_space<vmem>>)
    %dma_wait3A_160 = arith.constant 0 : i32
    %dma_wait3A_161 = arith.constant 0 : i32
    %dma_wait3A_162 = tpu.memref_slice %arg11[%dma_wait3A_160, %dma_wait3A_161] : memref<20x512xi32, #tpu.memory_space<vmem>> -> memref<1x512xi32, #tpu.memory_space<vmem>>
    %dma_wait3A_163 = tpu.memref_squeeze %dma_wait3A_162 : memref<1x512xi32, #tpu.memory_space<vmem>> -> memref<512xi32, #tpu.memory_space<vmem>>
    %dma_wait3A_164 = arith.constant 0 : i32
    %dma_wait3A_165 = arith.constant 0 : i32
    %dma_wait3A_166 = tpu.memref_slice %arg6[%dma_wait3A_164, %dma_wait3A_165] : memref<1000000x32xf32, #tpu.memory_space<hbm>> -> memref<1000000x32xf32, #tpu.memory_space<hbm>>
    tpu.wait_indirect_dma semaphore(%arg17 : memref<!tpu.dma_semaphore, #tpu.memory_space<semaphore_mem>>) src(%dma_wait3A_166 : memref<1000000x32xf32, #tpu.memory_space<hbm>>) dst(%arg14 : memref<512x32xf32, #tpu.memory_space<vmem>>)
    %dma_wait3A_167 = arith.constant 1 : i32
    %dma_wait3A_168 = arith.constant 0 : i32
    %dma_wait3A_169 = tpu.memref_slice %arg11[%dma_wait3A_167, %dma_wait3A_168] : memref<20x512xi32, #tpu.memory_space<vmem>> -> memref<1x512xi32, #tpu.memory_space<vmem>>
    %dma_wait3A_170 = tpu.memref_squeeze %dma_wait3A_169 : memref<1x512xi32, #tpu.memory_space<vmem>> -> memref<512xi32, #tpu.memory_space<vmem>>
    %dma_wait3A_171 = arith.constant 0 : i32
    %dma_wait3A_172 = arith.constant 0 : i32
    %dma_wait3A_173 = tpu.memref_slice %arg6[%dma_wait3A_171, %dma_wait3A_172] : memref<1000000x32xf32, #tpu.memory_space<hbm>> -> memref<1000000x32xf32, #tpu.memory_space<hbm>>
    tpu.wait_indirect_dma semaphore(%arg17 : memref<!tpu.dma_semaphore, #tpu.memory_space<semaphore_mem>>) src(%dma_wait3A_173 : memref<1000000x32xf32, #tpu.memory_space<hbm>>) dst(%arg14 : memref<512x32xf32, #tpu.memory_space<vmem>>)
    %dma_wait3A_174 = arith.constant 2 : i32
    %dma_wait3A_175 = arith.constant 0 : i32
    %dma_wait3A_176 = tpu.memref_slice %arg11[%dma_wait3A_174, %dma_wait3A_175] : memref<20x512xi32, #tpu.memory_space<vmem>> -> memref<1x512xi32, #tpu.memory_space<vmem>>
    %dma_wait3A_177 = tpu.memref_squeeze %dma_wait3A_176 : memref<1x512xi32, #tpu.memory_space<vmem>> -> memref<512xi32, #tpu.memory_space<vmem>>
    %dma_wait3A_178 = arith.constant 0 : i32
    %dma_wait3A_179 = arith.constant 0 : i32
    %dma_wait3A_180 = tpu.memref_slice %arg6[%dma_wait3A_178, %dma_wait3A_179] : memref<1000000x32xf32, #tpu.memory_space<hbm>> -> memref<1000000x32xf32, #tpu.memory_space<hbm>>
    tpu.wait_indirect_dma semaphore(%arg17 : memref<!tpu.dma_semaphore, #tpu.memory_space<semaphore_mem>>) src(%dma_wait3A_180 : memref<1000000x32xf32, #tpu.memory_space<hbm>>) dst(%arg14 : memref<512x32xf32, #tpu.memory_space<vmem>>)
    %dma_wait3A_181 = arith.constant 3 : i32
    %dma_wait3A_182 = arith.constant 0 : i32
    %dma_wait3A_183 = tpu.memref_slice %arg11[%dma_wait3A_181, %dma_wait3A_182] : memref<20x512xi32, #tpu.memory_space<vmem>> -> memref<1x512xi32, #tpu.memory_space<vmem>>
    %dma_wait3A_184 = tpu.memref_squeeze %dma_wait3A_183 : memref<1x512xi32, #tpu.memory_space<vmem>> -> memref<512xi32, #tpu.memory_space<vmem>>
    %dma_wait3A_185 = arith.constant 0 : i32
    %dma_wait3A_186 = arith.constant 0 : i32
    %dma_wait3A_187 = tpu.memref_slice %arg6[%dma_wait3A_185, %dma_wait3A_186] : memref<1000000x32xf32, #tpu.memory_space<hbm>> -> memref<1000000x32xf32, #tpu.memory_space<hbm>>
    tpu.wait_indirect_dma semaphore(%arg17 : memref<!tpu.dma_semaphore, #tpu.memory_space<semaphore_mem>>) src(%dma_wait3A_187 : memref<1000000x32xf32, #tpu.memory_space<hbm>>) dst(%arg14 : memref<512x32xf32, #tpu.memory_space<vmem>>)
    %dma_wait3A_188 = arith.constant 4 : i32
    %dma_wait3A_189 = arith.constant 0 : i32
    %dma_wait3A_190 = tpu.memref_slice %arg11[%dma_wait3A_188, %dma_wait3A_189] : memref<20x512xi32, #tpu.memory_space<vmem>> -> memref<1x512xi32, #tpu.memory_space<vmem>>
    %dma_wait3A_191 = tpu.memref_squeeze %dma_wait3A_190 : memref<1x512xi32, #tpu.memory_space<vmem>> -> memref<512xi32, #tpu.memory_space<vmem>>
    %dma_wait3A_192 = arith.constant 0 : i32
    %dma_wait3A_193 = arith.constant 0 : i32
    %dma_wait3A_194 = tpu.memref_slice %arg6[%dma_wait3A_192, %dma_wait3A_193] : memref<1000000x32xf32, #tpu.memory_space<hbm>> -> memref<1000000x32xf32, #tpu.memory_space<hbm>>
    tpu.wait_indirect_dma semaphore(%arg17 : memref<!tpu.dma_semaphore, #tpu.memory_space<semaphore_mem>>) src(%dma_wait3A_194 : memref<1000000x32xf32, #tpu.memory_space<hbm>>) dst(%arg14 : memref<512x32xf32, #tpu.memory_space<vmem>>)
    %dma_wait3A_195 = arith.constant 5 : i32
    %dma_wait3A_196 = arith.constant 0 : i32
    %dma_wait3A_197 = tpu.memref_slice %arg11[%dma_wait3A_195, %dma_wait3A_196] : memref<20x512xi32, #tpu.memory_space<vmem>> -> memref<1x512xi32, #tpu.memory_space<vmem>>
    %dma_wait3A_198 = tpu.memref_squeeze %dma_wait3A_197 : memref<1x512xi32, #tpu.memory_space<vmem>> -> memref<512xi32, #tpu.memory_space<vmem>>
    %dma_wait3A_199 = arith.constant 0 : i32
    %dma_wait3A_200 = arith.constant 0 : i32
    %dma_wait3A_201 = tpu.memref_slice %arg6[%dma_wait3A_199, %dma_wait3A_200] : memref<1000000x32xf32, #tpu.memory_space<hbm>> -> memref<1000000x32xf32, #tpu.memory_space<hbm>>
    tpu.wait_indirect_dma semaphore(%arg17 : memref<!tpu.dma_semaphore, #tpu.memory_space<semaphore_mem>>) src(%dma_wait3A_201 : memref<1000000x32xf32, #tpu.memory_space<hbm>>) dst(%arg14 : memref<512x32xf32, #tpu.memory_space<vmem>>)
    %dma_wait3A_202 = arith.constant 6 : i32
    %dma_wait3A_203 = arith.constant 0 : i32
    %dma_wait3A_204 = tpu.memref_slice %arg11[%dma_wait3A_202, %dma_wait3A_203] : memref<20x512xi32, #tpu.memory_space<vmem>> -> memref<1x512xi32, #tpu.memory_space<vmem>>
    %dma_wait3A_205 = tpu.memref_squeeze %dma_wait3A_204 : memref<1x512xi32, #tpu.memory_space<vmem>> -> memref<512xi32, #tpu.memory_space<vmem>>
    %dma_wait3A_206 = arith.constant 0 : i32
    %dma_wait3A_207 = arith.constant 0 : i32
    %dma_wait3A_208 = tpu.memref_slice %arg6[%dma_wait3A_206, %dma_wait3A_207] : memref<1000000x32xf32, #tpu.memory_space<hbm>> -> memref<1000000x32xf32, #tpu.memory_space<hbm>>
    tpu.wait_indirect_dma semaphore(%arg17 : memref<!tpu.dma_semaphore, #tpu.memory_space<semaphore_mem>>) src(%dma_wait3A_208 : memref<1000000x32xf32, #tpu.memory_space<hbm>>) dst(%arg14 : memref<512x32xf32, #tpu.memory_space<vmem>>)
    %dma_wait3A_209 = arith.constant 7 : i32
    %dma_wait3A_210 = arith.constant 0 : i32
    %dma_wait3A_211 = tpu.memref_slice %arg11[%dma_wait3A_209, %dma_wait3A_210] : memref<20x512xi32, #tpu.memory_space<vmem>> -> memref<1x512xi32, #tpu.memory_space<vmem>>
    %dma_wait3A_212 = tpu.memref_squeeze %dma_wait3A_211 : memref<1x512xi32, #tpu.memory_space<vmem>> -> memref<512xi32, #tpu.memory_space<vmem>>
    %dma_wait3A_213 = arith.constant 0 : i32
    %dma_wait3A_214 = arith.constant 0 : i32
    %dma_wait3A_215 = tpu.memref_slice %arg6[%dma_wait3A_213, %dma_wait3A_214] : memref<1000000x32xf32, #tpu.memory_space<hbm>> -> memref<1000000x32xf32, #tpu.memory_space<hbm>>
    tpu.wait_indirect_dma semaphore(%arg17 : memref<!tpu.dma_semaphore, #tpu.memory_space<semaphore_mem>>) src(%dma_wait3A_215 : memref<1000000x32xf32, #tpu.memory_space<hbm>>) dst(%arg14 : memref<512x32xf32, #tpu.memory_space<vmem>>)
    %dma_wait3A_216 = arith.constant 8 : i32
    %dma_wait3A_217 = arith.constant 0 : i32
    %dma_wait3A_218 = tpu.memref_slice %arg11[%dma_wait3A_216, %dma_wait3A_217] : memref<20x512xi32, #tpu.memory_space<vmem>> -> memref<1x512xi32, #tpu.memory_space<vmem>>
    %dma_wait3A_219 = tpu.memref_squeeze %dma_wait3A_218 : memref<1x512xi32, #tpu.memory_space<vmem>> -> memref<512xi32, #tpu.memory_space<vmem>>
    %dma_wait3A_220 = arith.constant 0 : i32
    %dma_wait3A_221 = arith.constant 0 : i32
    %dma_wait3A_222 = tpu.memref_slice %arg6[%dma_wait3A_220, %dma_wait3A_221] : memref<1000000x32xf32, #tpu.memory_space<hbm>> -> memref<1000000x32xf32, #tpu.memory_space<hbm>>
    tpu.wait_indirect_dma semaphore(%arg17 : memref<!tpu.dma_semaphore, #tpu.memory_space<semaphore_mem>>) src(%dma_wait3A_222 : memref<1000000x32xf32, #tpu.memory_space<hbm>>) dst(%arg14 : memref<512x32xf32, #tpu.memory_space<vmem>>)
    %dma_wait3A_223 = arith.constant 9 : i32
    %dma_wait3A_224 = arith.constant 0 : i32
    %dma_wait3A_225 = tpu.memref_slice %arg11[%dma_wait3A_223, %dma_wait3A_224] : memref<20x512xi32, #tpu.memory_space<vmem>> -> memref<1x512xi32, #tpu.memory_space<vmem>>
    %dma_wait3A_226 = tpu.memref_squeeze %dma_wait3A_225 : memref<1x512xi32, #tpu.memory_space<vmem>> -> memref<512xi32, #tpu.memory_space<vmem>>
    %dma_wait3A_227 = arith.constant 0 : i32
    %dma_wait3A_228 = arith.constant 0 : i32
    %dma_wait3A_229 = tpu.memref_slice %arg6[%dma_wait3A_227, %dma_wait3A_228] : memref<1000000x32xf32, #tpu.memory_space<hbm>> -> memref<1000000x32xf32, #tpu.memory_space<hbm>>
    tpu.wait_indirect_dma semaphore(%arg17 : memref<!tpu.dma_semaphore, #tpu.memory_space<semaphore_mem>>) src(%dma_wait3A_229 : memref<1000000x32xf32, #tpu.memory_space<hbm>>) dst(%arg14 : memref<512x32xf32, #tpu.memory_space<vmem>>)
    %dma_wait3A_230 = arith.constant 10 : i32
    %dma_wait3A_231 = arith.constant 0 : i32
    %dma_wait3A_232 = tpu.memref_slice %arg11[%dma_wait3A_230, %dma_wait3A_231] : memref<20x512xi32, #tpu.memory_space<vmem>> -> memref<1x512xi32, #tpu.memory_space<vmem>>
    %dma_wait3A_233 = tpu.memref_squeeze %dma_wait3A_232 : memref<1x512xi32, #tpu.memory_space<vmem>> -> memref<512xi32, #tpu.memory_space<vmem>>
    %dma_wait3A_234 = arith.constant 0 : i32
    %dma_wait3A_235 = arith.constant 0 : i32
    %dma_wait3A_236 = tpu.memref_slice %arg6[%dma_wait3A_234, %dma_wait3A_235] : memref<1000000x32xf32, #tpu.memory_space<hbm>> -> memref<1000000x32xf32, #tpu.memory_space<hbm>>
    tpu.wait_indirect_dma semaphore(%arg17 : memref<!tpu.dma_semaphore, #tpu.memory_space<semaphore_mem>>) src(%dma_wait3A_236 : memref<1000000x32xf32, #tpu.memory_space<hbm>>) dst(%arg14 : memref<512x32xf32, #tpu.memory_space<vmem>>)
    %dma_wait3A_237 = arith.constant 11 : i32
    %dma_wait3A_238 = arith.constant 0 : i32
    %dma_wait3A_239 = tpu.memref_slice %arg11[%dma_wait3A_237, %dma_wait3A_238] : memref<20x512xi32, #tpu.memory_space<vmem>> -> memref<1x512xi32, #tpu.memory_space<vmem>>
    %dma_wait3A_240 = tpu.memref_squeeze %dma_wait3A_239 : memref<1x512xi32, #tpu.memory_space<vmem>> -> memref<512xi32, #tpu.memory_space<vmem>>
    %dma_wait3A_241 = arith.constant 0 : i32
    %dma_wait3A_242 = arith.constant 0 : i32
    %dma_wait3A_243 = tpu.memref_slice %arg6[%dma_wait3A_241, %dma_wait3A_242] : memref<1000000x32xf32, #tpu.memory_space<hbm>> -> memref<1000000x32xf32, #tpu.memory_space<hbm>>
    tpu.wait_indirect_dma semaphore(%arg17 : memref<!tpu.dma_semaphore, #tpu.memory_space<semaphore_mem>>) src(%dma_wait3A_243 : memref<1000000x32xf32, #tpu.memory_space<hbm>>) dst(%arg14 : memref<512x32xf32, #tpu.memory_space<vmem>>)
    %dma_wait3A_244 = arith.constant 12 : i32
    %dma_wait3A_245 = arith.constant 0 : i32
    %dma_wait3A_246 = tpu.memref_slice %arg11[%dma_wait3A_244, %dma_wait3A_245] : memref<20x512xi32, #tpu.memory_space<vmem>> -> memref<1x512xi32, #tpu.memory_space<vmem>>
    %dma_wait3A_247 = tpu.memref_squeeze %dma_wait3A_246 : memref<1x512xi32, #tpu.memory_space<vmem>> -> memref<512xi32, #tpu.memory_space<vmem>>
    %dma_wait3A_248 = arith.constant 0 : i32
    %dma_wait3A_249 = arith.constant 0 : i32
    %dma_wait3A_250 = tpu.memref_slice %arg6[%dma_wait3A_248, %dma_wait3A_249] : memref<1000000x32xf32, #tpu.memory_space<hbm>> -> memref<1000000x32xf32, #tpu.memory_space<hbm>>
    tpu.wait_indirect_dma semaphore(%arg17 : memref<!tpu.dma_semaphore, #tpu.memory_space<semaphore_mem>>) src(%dma_wait3A_250 : memref<1000000x32xf32, #tpu.memory_space<hbm>>) dst(%arg14 : memref<512x32xf32, #tpu.memory_space<vmem>>)
    %dma_wait3A_251 = arith.constant 13 : i32
    %dma_wait3A_252 = arith.constant 0 : i32
    %dma_wait3A_253 = tpu.memref_slice %arg11[%dma_wait3A_251, %dma_wait3A_252] : memref<20x512xi32, #tpu.memory_space<vmem>> -> memref<1x512xi32, #tpu.memory_space<vmem>>
    %dma_wait3A_254 = tpu.memref_squeeze %dma_wait3A_253 : memref<1x512xi32, #tpu.memory_space<vmem>> -> memref<512xi32, #tpu.memory_space<vmem>>
    %dma_wait3A_255 = arith.constant 0 : i32
    %dma_wait3A_256 = arith.constant 0 : i32
    %dma_wait3A_257 = tpu.memref_slice %arg6[%dma_wait3A_255, %dma_wait3A_256] : memref<1000000x32xf32, #tpu.memory_space<hbm>> -> memref<1000000x32xf32, #tpu.memory_space<hbm>>
    tpu.wait_indirect_dma semaphore(%arg17 : memref<!tpu.dma_semaphore, #tpu.memory_space<semaphore_mem>>) src(%dma_wait3A_257 : memref<1000000x32xf32, #tpu.memory_space<hbm>>) dst(%arg14 : memref<512x32xf32, #tpu.memory_space<vmem>>)
    %dma_wait3A_258 = arith.constant 14 : i32
    %dma_wait3A_259 = arith.constant 0 : i32
    %dma_wait3A_260 = tpu.memref_slice %arg11[%dma_wait3A_258, %dma_wait3A_259] : memref<20x512xi32, #tpu.memory_space<vmem>> -> memref<1x512xi32, #tpu.memory_space<vmem>>
    %dma_wait3A_261 = tpu.memref_squeeze %dma_wait3A_260 : memref<1x512xi32, #tpu.memory_space<vmem>> -> memref<512xi32, #tpu.memory_space<vmem>>
    %dma_wait3A_262 = arith.constant 0 : i32
    %dma_wait3A_263 = arith.constant 0 : i32
    %dma_wait3A_264 = tpu.memref_slice %arg6[%dma_wait3A_262, %dma_wait3A_263] : memref<1000000x32xf32, #tpu.memory_space<hbm>> -> memref<1000000x32xf32, #tpu.memory_space<hbm>>
    tpu.wait_indirect_dma semaphore(%arg17 : memref<!tpu.dma_semaphore, #tpu.memory_space<semaphore_mem>>) src(%dma_wait3A_264 : memref<1000000x32xf32, #tpu.memory_space<hbm>>) dst(%arg14 : memref<512x32xf32, #tpu.memory_space<vmem>>)
    %dma_wait3A_265 = arith.constant 15 : i32
    %dma_wait3A_266 = arith.constant 0 : i32
    %dma_wait3A_267 = tpu.memref_slice %arg11[%dma_wait3A_265, %dma_wait3A_266] : memref<20x512xi32, #tpu.memory_space<vmem>> -> memref<1x512xi32, #tpu.memory_space<vmem>>
    %dma_wait3A_268 = tpu.memref_squeeze %dma_wait3A_267 : memref<1x512xi32, #tpu.memory_space<vmem>> -> memref<512xi32, #tpu.memory_space<vmem>>
    %dma_wait3A_269 = arith.constant 0 : i32
    %dma_wait3A_270 = arith.constant 0 : i32
    %dma_wait3A_271 = tpu.memref_slice %arg6[%dma_wait3A_269, %dma_wait3A_270] : memref<1000000x32xf32, #tpu.memory_space<hbm>> -> memref<1000000x32xf32, #tpu.memory_space<hbm>>
    tpu.wait_indirect_dma semaphore(%arg17 : memref<!tpu.dma_semaphore, #tpu.memory_space<semaphore_mem>>) src(%dma_wait3A_271 : memref<1000000x32xf32, #tpu.memory_space<hbm>>) dst(%arg14 : memref<512x32xf32, #tpu.memory_space<vmem>>)
    %dma_wait3A_272 = arith.constant 16 : i32
    %dma_wait3A_273 = arith.constant 0 : i32
    %dma_wait3A_274 = tpu.memref_slice %arg11[%dma_wait3A_272, %dma_wait3A_273] : memref<20x512xi32, #tpu.memory_space<vmem>> -> memref<1x512xi32, #tpu.memory_space<vmem>>
    %dma_wait3A_275 = tpu.memref_squeeze %dma_wait3A_274 : memref<1x512xi32, #tpu.memory_space<vmem>> -> memref<512xi32, #tpu.memory_space<vmem>>
    %dma_wait3A_276 = arith.constant 0 : i32
    %dma_wait3A_277 = arith.constant 0 : i32
    %dma_wait3A_278 = tpu.memref_slice %arg6[%dma_wait3A_276, %dma_wait3A_277] : memref<1000000x32xf32, #tpu.memory_space<hbm>> -> memref<1000000x32xf32, #tpu.memory_space<hbm>>
    tpu.wait_indirect_dma semaphore(%arg17 : memref<!tpu.dma_semaphore, #tpu.memory_space<semaphore_mem>>) src(%dma_wait3A_278 : memref<1000000x32xf32, #tpu.memory_space<hbm>>) dst(%arg14 : memref<512x32xf32, #tpu.memory_space<vmem>>)
    %dma_wait3A_279 = arith.constant 17 : i32
    %dma_wait3A_280 = arith.constant 0 : i32
    %dma_wait3A_281 = tpu.memref_slice %arg11[%dma_wait3A_279, %dma_wait3A_280] : memref<20x512xi32, #tpu.memory_space<vmem>> -> memref<1x512xi32, #tpu.memory_space<vmem>>
    %dma_wait3A_282 = tpu.memref_squeeze %dma_wait3A_281 : memref<1x512xi32, #tpu.memory_space<vmem>> -> memref<512xi32, #tpu.memory_space<vmem>>
    %dma_wait3A_283 = arith.constant 0 : i32
    %dma_wait3A_284 = arith.constant 0 : i32
    %dma_wait3A_285 = tpu.memref_slice %arg6[%dma_wait3A_283, %dma_wait3A_284] : memref<1000000x32xf32, #tpu.memory_space<hbm>> -> memref<1000000x32xf32, #tpu.memory_space<hbm>>
    tpu.wait_indirect_dma semaphore(%arg17 : memref<!tpu.dma_semaphore, #tpu.memory_space<semaphore_mem>>) src(%dma_wait3A_285 : memref<1000000x32xf32, #tpu.memory_space<hbm>>) dst(%arg14 : memref<512x32xf32, #tpu.memory_space<vmem>>)
    %dma_wait3A_286 = arith.constant 18 : i32
    %dma_wait3A_287 = arith.constant 0 : i32
    %dma_wait3A_288 = tpu.memref_slice %arg11[%dma_wait3A_286, %dma_wait3A_287] : memref<20x512xi32, #tpu.memory_space<vmem>> -> memref<1x512xi32, #tpu.memory_space<vmem>>
    %dma_wait3A_289 = tpu.memref_squeeze %dma_wait3A_288 : memref<1x512xi32, #tpu.memory_space<vmem>> -> memref<512xi32, #tpu.memory_space<vmem>>
    %dma_wait3A_290 = arith.constant 0 : i32
    %dma_wait3A_291 = arith.constant 0 : i32
    %dma_wait3A_292 = tpu.memref_slice %arg6[%dma_wait3A_290, %dma_wait3A_291] : memref<1000000x32xf32, #tpu.memory_space<hbm>> -> memref<1000000x32xf32, #tpu.memory_space<hbm>>
    tpu.wait_indirect_dma semaphore(%arg17 : memref<!tpu.dma_semaphore, #tpu.memory_space<semaphore_mem>>) src(%dma_wait3A_292 : memref<1000000x32xf32, #tpu.memory_space<hbm>>) dst(%arg14 : memref<512x32xf32, #tpu.memory_space<vmem>>)
    %dma_wait3A_293 = arith.constant 19 : i32
    %dma_wait3A_294 = arith.constant 0 : i32
    %dma_wait3A_295 = tpu.memref_slice %arg11[%dma_wait3A_293, %dma_wait3A_294] : memref<20x512xi32, #tpu.memory_space<vmem>> -> memref<1x512xi32, #tpu.memory_space<vmem>>
    %dma_wait3A_296 = tpu.memref_squeeze %dma_wait3A_295 : memref<1x512xi32, #tpu.memory_space<vmem>> -> memref<512xi32, #tpu.memory_space<vmem>>
    %dma_wait3A_297 = arith.constant 0 : i32
    %dma_wait3A_298 = arith.constant 0 : i32
    %dma_wait3A_299 = tpu.memref_slice %arg6[%dma_wait3A_297, %dma_wait3A_298] : memref<1000000x32xf32, #tpu.memory_space<hbm>> -> memref<1000000x32xf32, #tpu.memory_space<hbm>>
    tpu.wait_indirect_dma semaphore(%arg17 : memref<!tpu.dma_semaphore, #tpu.memory_space<semaphore_mem>>) src(%dma_wait3A_299 : memref<1000000x32xf32, #tpu.memory_space<hbm>>) dst(%arg14 : memref<512x32xf32, #tpu.memory_space<vmem>>)
    %scan3A_300 = arith.constant 0 : i32
    %scan3A_301 = arith.constant 0 : i32
    %scan3A_302 = arith.constant 32 : i32
    %scan3A_303 = arith.addi %scan3A_301, %scan3A_302 : i32
    %scan3A_304 = arith.constant 1 : i32
    %scan3A_305 = scf.for %scan3A_307 = %scan3A_301 to %scan3A_303 step %scan3A_304 iter_args(%scan3A_308 = %scan3A_300) -> (i32)  : i32 {
      %mul3A_309 = arith.constant 16 : i32
      %mul3A_310 = arith.muli %scan3A_307, %mul3A_309 : i32
      %iota3A = tpu.iota {dimensions = array<i32: 0>} : vector<16xi32>
      %add3A_311 = vector.broadcast %mul3A_310 : i32 to vector<16xi32>
      %add3A_312 = arith.addi %add3A_311, %iota3A : vector<16xi32>
      %broadcast_in_dim3A_313 = arith.constant 0.000000e+00 : f32
      %broadcast_in_dim3A_314 = vector.broadcast %broadcast_in_dim3A_313 : f32 to vector<16xf32>
      %broadcast_in_dim3A_315 = arith.constant 0.000000e+00 : f32
      %broadcast_in_dim3A_316 = vector.broadcast %broadcast_in_dim3A_315 : f32 to vector<16xf32>
      %broadcast_in_dim3A_317 = arith.constant 0 : i32
      %broadcast_in_dim3A_318 = vector.broadcast %broadcast_in_dim3A_317 : i32 to vector<16xi32>
      %gather3A = tpu.vector_load_idx %arg12[%add3A_312, %broadcast_in_dim3A_318] : memref<512x32xf32, #tpu.memory_space<vmem>>[vector<16xi32>, vector<16xi32>], vector<16xf32>,
      %gather3A_319 = tpu.vector_load_idx %arg13[%add3A_312, %broadcast_in_dim3A_318] : memref<512x32xf32, #tpu.memory_space<vmem>>[vector<16xi32>, vector<16xi32>], vector<16xf32>,
      %mul3A_320 = arith.mulf %gather3A_319, %gather3A : vector<16xf32>
      %add3A_321 = arith.addf %broadcast_in_dim3A_314, %mul3A_320 : vector<16xf32>
      %gather3A_322 = tpu.vector_load_idx %arg14[%add3A_312, %broadcast_in_dim3A_318] : memref<512x32xf32, #tpu.memory_space<vmem>>[vector<16xi32>, vector<16xi32>], vector<16xf32>,
      %mul3A_323 = arith.mulf %gather3A_322, %gather3A : vector<16xf32>
      %add3A_324 = arith.addf %broadcast_in_dim3A_316, %mul3A_323 : vector<16xf32>
      %broadcast_in_dim3A_325 = arith.constant 1 : i32
      %broadcast_in_dim3A_326 = vector.broadcast %broadcast_in_dim3A_325 : i32 to vector<16xi32>
      %gather3A_327 = tpu.vector_load_idx %arg12[%add3A_312, %broadcast_in_dim3A_326] : memref<512x32xf32, #tpu.memory_space<vmem>>[vector<16xi32>, vector<16xi32>], vector<16xf32>,
      %gather3A_328 = tpu.vector_load_idx %arg13[%add3A_312, %broadcast_in_dim3A_326] : memref<512x32xf32, #tpu.memory_space<vmem>>[vector<16xi32>, vector<16xi32>], vector<16xf32>,
      %mul3A_329 = arith.mulf %gather3A_328, %gather3A_327 : vector<16xf32>
      %add3A_330 = arith.addf %add3A_321, %mul3A_329 : vector<16xf32>
      %gather3A_331 = tpu.vector_load_idx %arg14[%add3A_312, %broadcast_in_dim3A_326] : memref<512x32xf32, #tpu.memory_space<vmem>>[vector<16xi32>, vector<16xi32>], vector<16xf32>,
      %mul3A_332 = arith.mulf %gather3A_331, %gather3A_327 : vector<16xf32>
      %add3A_333 = arith.addf %add3A_324, %mul3A_332 : vector<16xf32>
      %broadcast_in_dim3A_334 = arith.constant 2 : i32
      %broadcast_in_dim3A_335 = vector.broadcast %broadcast_in_dim3A_334 : i32 to vector<16xi32>
      %gather3A_336 = tpu.vector_load_idx %arg12[%add3A_312, %broadcast_in_dim3A_335] : memref<512x32xf32, #tpu.memory_space<vmem>>[vector<16xi32>, vector<16xi32>], vector<16xf32>,
      %gather3A_337 = tpu.vector_load_idx %arg13[%add3A_312, %broadcast_in_dim3A_335] : memref<512x32xf32, #tpu.memory_space<vmem>>[vector<16xi32>, vector<16xi32>], vector<16xf32>,
      %mul3A_338 = arith.mulf %gather3A_337, %gather3A_336 : vector<16xf32>
      %add3A_339 = arith.addf %add3A_330, %mul3A_338 : vector<16xf32>
      %gather3A_340 = tpu.vector_load_idx %arg14[%add3A_312, %broadcast_in_dim3A_335] : memref<512x32xf32, #tpu.memory_space<vmem>>[vector<16xi32>, vector<16xi32>], vector<16xf32>,
      %mul3A_341 = arith.mulf %gather3A_340, %gather3A_336 : vector<16xf32>
      %add3A_342 = arith.addf %add3A_333, %mul3A_341 : vector<16xf32>
      %broadcast_in_dim3A_343 = arith.constant 3 : i32
      %broadcast_in_dim3A_344 = vector.broadcast %broadcast_in_dim3A_343 : i32 to vector<16xi32>
      %gather3A_345 = tpu.vector_load_idx %arg12[%add3A_312, %broadcast_in_dim3A_344] : memref<512x32xf32, #tpu.memory_space<vmem>>[vector<16xi32>, vector<16xi32>], vector<16xf32>,
      %gather3A_346 = tpu.vector_load_idx %arg13[%add3A_312, %broadcast_in_dim3A_344] : memref<512x32xf32, #tpu.memory_space<vmem>>[vector<16xi32>, vector<16xi32>], vector<16xf32>,
      %mul3A_347 = arith.mulf %gather3A_346, %gather3A_345 : vector<16xf32>
      %add3A_348 = arith.addf %add3A_339, %mul3A_347 : vector<16xf32>
      %gather3A_349 = tpu.vector_load_idx %arg14[%add3A_312, %broadcast_in_dim3A_344] : memref<512x32xf32, #tpu.memory_space<vmem>>[vector<16xi32>, vector<16xi32>], vector<16xf32>,
      %mul3A_350 = arith.mulf %gather3A_349, %gather3A_345 : vector<16xf32>
      %add3A_351 = arith.addf %add3A_342, %mul3A_350 : vector<16xf32>
      %broadcast_in_dim3A_352 = arith.constant 4 : i32
      %broadcast_in_dim3A_353 = vector.broadcast %broadcast_in_dim3A_352 : i32 to vector<16xi32>
      %gather3A_354 = tpu.vector_load_idx %arg12[%add3A_312, %broadcast_in_dim3A_353] : memref<512x32xf32, #tpu.memory_space<vmem>>[vector<16xi32>, vector<16xi32>], vector<16xf32>,
      %gather3A_355 = tpu.vector_load_idx %arg13[%add3A_312, %broadcast_in_dim3A_353] : memref<512x32xf32, #tpu.memory_space<vmem>>[vector<16xi32>, vector<16xi32>], vector<16xf32>,
      %mul3A_356 = arith.mulf %gather3A_355, %gather3A_354 : vector<16xf32>
      %add3A_357 = arith.addf %add3A_348, %mul3A_356 : vector<16xf32>
      %gather3A_358 = tpu.vector_load_idx %arg14[%add3A_312, %broadcast_in_dim3A_353] : memref<512x32xf32, #tpu.memory_space<vmem>>[vector<16xi32>, vector<16xi32>], vector<16xf32>,
      %mul3A_359 = arith.mulf %gather3A_358, %gather3A_354 : vector<16xf32>
      %add3A_360 = arith.addf %add3A_351, %mul3A_359 : vector<16xf32>
      %broadcast_in_dim3A_361 = arith.constant 5 : i32
      %broadcast_in_dim3A_362 = vector.broadcast %broadcast_in_dim3A_361 : i32 to vector<16xi32>
      %gather3A_363 = tpu.vector_load_idx %arg12[%add3A_312, %broadcast_in_dim3A_362] : memref<512x32xf32, #tpu.memory_space<vmem>>[vector<16xi32>, vector<16xi32>], vector<16xf32>,
      %gather3A_364 = tpu.vector_load_idx %arg13[%add3A_312, %broadcast_in_dim3A_362] : memref<512x32xf32, #tpu.memory_space<vmem>>[vector<16xi32>, vector<16xi32>], vector<16xf32>,
      %mul3A_365 = arith.mulf %gather3A_364, %gather3A_363 : vector<16xf32>
      %add3A_366 = arith.addf %add3A_357, %mul3A_365 : vector<16xf32>
      %gather3A_367 = tpu.vector_load_idx %arg14[%add3A_312, %broadcast_in_dim3A_362] : memref<512x32xf32, #tpu.memory_space<vmem>>[vector<16xi32>, vector<16xi32>], vector<16xf32>,
      %mul3A_368 = arith.mulf %gather3A_367, %gather3A_363 : vector<16xf32>
      %add3A_369 = arith.addf %add3A_360, %mul3A_368 : vector<16xf32>
      %broadcast_in_dim3A_370 = arith.constant 6 : i32
      %broadcast_in_dim3A_371 = vector.broadcast %broadcast_in_dim3A_370 : i32 to vector<16xi32>
      %gather3A_372 = tpu.vector_load_idx %arg12[%add3A_312, %broadcast_in_dim3A_371] : memref<512x32xf32, #tpu.memory_space<vmem>>[vector<16xi32>, vector<16xi32>], vector<16xf32>,
      %gather3A_373 = tpu.vector_load_idx %arg13[%add3A_312, %broadcast_in_dim3A_371] : memref<512x32xf32, #tpu.memory_space<vmem>>[vector<16xi32>, vector<16xi32>], vector<16xf32>,
      %mul3A_374 = arith.mulf %gather3A_373, %gather3A_372 : vector<16xf32>
      %add3A_375 = arith.addf %add3A_366, %mul3A_374 : vector<16xf32>
      %gather3A_376 = tpu.vector_load_idx %arg14[%add3A_312, %broadcast_in_dim3A_371] : memref<512x32xf32, #tpu.memory_space<vmem>>[vector<16xi32>, vector<16xi32>], vector<16xf32>,
      %mul3A_377 = arith.mulf %gather3A_376, %gather3A_372 : vector<16xf32>
      %add3A_378 = arith.addf %add3A_369, %mul3A_377 : vector<16xf32>
      %broadcast_in_dim3A_379 = arith.constant 7 : i32
      %broadcast_in_dim3A_380 = vector.broadcast %broadcast_in_dim3A_379 : i32 to vector<16xi32>
      %gather3A_381 = tpu.vector_load_idx %arg12[%add3A_312, %broadcast_in_dim3A_380] : memref<512x32xf32, #tpu.memory_space<vmem>>[vector<16xi32>, vector<16xi32>], vector<16xf32>,
      %gather3A_382 = tpu.vector_load_idx %arg13[%add3A_312, %broadcast_in_dim3A_380] : memref<512x32xf32, #tpu.memory_space<vmem>>[vector<16xi32>, vector<16xi32>], vector<16xf32>,
      %mul3A_383 = arith.mulf %gather3A_382, %gather3A_381 : vector<16xf32>
      %add3A_384 = arith.addf %add3A_375, %mul3A_383 : vector<16xf32>
      %gather3A_385 = tpu.vector_load_idx %arg14[%add3A_312, %broadcast_in_dim3A_380] : memref<512x32xf32, #tpu.memory_space<vmem>>[vector<16xi32>, vector<16xi32>], vector<16xf32>,
      %mul3A_386 = arith.mulf %gather3A_385, %gather3A_381 : vector<16xf32>
      %add3A_387 = arith.addf %add3A_378, %mul3A_386 : vector<16xf32>
      %broadcast_in_dim3A_388 = arith.constant 8 : i32
      %broadcast_in_dim3A_389 = vector.broadcast %broadcast_in_dim3A_388 : i32 to vector<16xi32>
      %gather3A_390 = tpu.vector_load_idx %arg12[%add3A_312, %broadcast_in_dim3A_389] : memref<512x32xf32, #tpu.memory_space<vmem>>[vector<16xi32>, vector<16xi32>], vector<16xf32>,
      %gather3A_391 = tpu.vector_load_idx %arg13[%add3A_312, %broadcast_in_dim3A_389] : memref<512x32xf32, #tpu.memory_space<vmem>>[vector<16xi32>, vector<16xi32>], vector<16xf32>,
      %mul3A_392 = arith.mulf %gather3A_391, %gather3A_390 : vector<16xf32>
      %add3A_393 = arith.addf %add3A_384, %mul3A_392 : vector<16xf32>
      %gather3A_394 = tpu.vector_load_idx %arg14[%add3A_312, %broadcast_in_dim3A_389] : memref<512x32xf32, #tpu.memory_space<vmem>>[vector<16xi32>, vector<16xi32>], vector<16xf32>,
      %mul3A_395 = arith.mulf %gather3A_394, %gather3A_390 : vector<16xf32>
      %add3A_396 = arith.addf %add3A_387, %mul3A_395 : vector<16xf32>
      %broadcast_in_dim3A_397 = arith.constant 9 : i32
      %broadcast_in_dim3A_398 = vector.broadcast %broadcast_in_dim3A_397 : i32 to vector<16xi32>
      %gather3A_399 = tpu.vector_load_idx %arg12[%add3A_312, %broadcast_in_dim3A_398] : memref<512x32xf32, #tpu.memory_space<vmem>>[vector<16xi32>, vector<16xi32>], vector<16xf32>,
      %gather3A_400 = tpu.vector_load_idx %arg13[%add3A_312, %broadcast_in_dim3A_398] : memref<512x32xf32, #tpu.memory_space<vmem>>[vector<16xi32>, vector<16xi32>], vector<16xf32>,
      %mul3A_401 = arith.mulf %gather3A_400, %gather3A_399 : vector<16xf32>
      %add3A_402 = arith.addf %add3A_393, %mul3A_401 : vector<16xf32>
      %gather3A_403 = tpu.vector_load_idx %arg14[%add3A_312, %broadcast_in_dim3A_398] : memref<512x32xf32, #tpu.memory_space<vmem>>[vector<16xi32>, vector<16xi32>], vector<16xf32>,
      %mul3A_404 = arith.mulf %gather3A_403, %gather3A_399 : vector<16xf32>
      %add3A_405 = arith.addf %add3A_396, %mul3A_404 : vector<16xf32>
      %broadcast_in_dim3A_406 = arith.constant 10 : i32
      %broadcast_in_dim3A_407 = vector.broadcast %broadcast_in_dim3A_406 : i32 to vector<16xi32>
      %gather3A_408 = tpu.vector_load_idx %arg12[%add3A_312, %broadcast_in_dim3A_407] : memref<512x32xf32, #tpu.memory_space<vmem>>[vector<16xi32>, vector<16xi32>], vector<16xf32>,
      %gather3A_409 = tpu.vector_load_idx %arg13[%add3A_312, %broadcast_in_dim3A_407] : memref<512x32xf32, #tpu.memory_space<vmem>>[vector<16xi32>, vector<16xi32>], vector<16xf32>,
      %mul3A_410 = arith.mulf %gather3A_409, %gather3A_408 : vector<16xf32>
      %add3A_411 = arith.addf %add3A_402, %mul3A_410 : vector<16xf32>
      %gather3A_412 = tpu.vector_load_idx %arg14[%add3A_312, %broadcast_in_dim3A_407] : memref<512x32xf32, #tpu.memory_space<vmem>>[vector<16xi32>, vector<16xi32>], vector<16xf32>,
      %mul3A_413 = arith.mulf %gather3A_412, %gather3A_408 : vector<16xf32>
      %add3A_414 = arith.addf %add3A_405, %mul3A_413 : vector<16xf32>
      %broadcast_in_dim3A_415 = arith.constant 11 : i32
      %broadcast_in_dim3A_416 = vector.broadcast %broadcast_in_dim3A_415 : i32 to vector<16xi32>
      %gather3A_417 = tpu.vector_load_idx %arg12[%add3A_312, %broadcast_in_dim3A_416] : memref<512x32xf32, #tpu.memory_space<vmem>>[vector<16xi32>, vector<16xi32>], vector<16xf32>,
      %gather3A_418 = tpu.vector_load_idx %arg13[%add3A_312, %broadcast_in_dim3A_416] : memref<512x32xf32, #tpu.memory_space<vmem>>[vector<16xi32>, vector<16xi32>], vector<16xf32>,
      %mul3A_419 = arith.mulf %gather3A_418, %gather3A_417 : vector<16xf32>
      %add3A_420 = arith.addf %add3A_411, %mul3A_419 : vector<16xf32>
      %gather3A_421 = tpu.vector_load_idx %arg14[%add3A_312, %broadcast_in_dim3A_416] : memref<512x32xf32, #tpu.memory_space<vmem>>[vector<16xi32>, vector<16xi32>], vector<16xf32>,
      %mul3A_422 = arith.mulf %gather3A_421, %gather3A_417 : vector<16xf32>
      %add3A_423 = arith.addf %add3A_414, %mul3A_422 : vector<16xf32>
      %broadcast_in_dim3A_424 = arith.constant 12 : i32
      %broadcast_in_dim3A_425 = vector.broadcast %broadcast_in_dim3A_424 : i32 to vector<16xi32>
      %gather3A_426 = tpu.vector_load_idx %arg12[%add3A_312, %broadcast_in_dim3A_425] : memref<512x32xf32, #tpu.memory_space<vmem>>[vector<16xi32>, vector<16xi32>], vector<16xf32>,
      %gather3A_427 = tpu.vector_load_idx %arg13[%add3A_312, %broadcast_in_dim3A_425] : memref<512x32xf32, #tpu.memory_space<vmem>>[vector<16xi32>, vector<16xi32>], vector<16xf32>,
      %mul3A_428 = arith.mulf %gather3A_427, %gather3A_426 : vector<16xf32>
      %add3A_429 = arith.addf %add3A_420, %mul3A_428 : vector<16xf32>
      %gather3A_430 = tpu.vector_load_idx %arg14[%add3A_312, %broadcast_in_dim3A_425] : memref<512x32xf32, #tpu.memory_space<vmem>>[vector<16xi32>, vector<16xi32>], vector<16xf32>,
      %mul3A_431 = arith.mulf %gather3A_430, %gather3A_426 : vector<16xf32>
      %add3A_432 = arith.addf %add3A_423, %mul3A_431 : vector<16xf32>
      %broadcast_in_dim3A_433 = arith.constant 13 : i32
      %broadcast_in_dim3A_434 = vector.broadcast %broadcast_in_dim3A_433 : i32 to vector<16xi32>
      %gather3A_435 = tpu.vector_load_idx %arg12[%add3A_312, %broadcast_in_dim3A_434] : memref<512x32xf32, #tpu.memory_space<vmem>>[vector<16xi32>, vector<16xi32>], vector<16xf32>,
      %gather3A_436 = tpu.vector_load_idx %arg13[%add3A_312, %broadcast_in_dim3A_434] : memref<512x32xf32, #tpu.memory_space<vmem>>[vector<16xi32>, vector<16xi32>], vector<16xf32>,
      %mul3A_437 = arith.mulf %gather3A_436, %gather3A_435 : vector<16xf32>
      %add3A_438 = arith.addf %add3A_429, %mul3A_437 : vector<16xf32>
      %gather3A_439 = tpu.vector_load_idx %arg14[%add3A_312, %broadcast_in_dim3A_434] : memref<512x32xf32, #tpu.memory_space<vmem>>[vector<16xi32>, vector<16xi32>], vector<16xf32>,
      %mul3A_440 = arith.mulf %gather3A_439, %gather3A_435 : vector<16xf32>
      %add3A_441 = arith.addf %add3A_432, %mul3A_440 : vector<16xf32>
      %broadcast_in_dim3A_442 = arith.constant 14 : i32
      %broadcast_in_dim3A_443 = vector.broadcast %broadcast_in_dim3A_442 : i32 to vector<16xi32>
      %gather3A_444 = tpu.vector_load_idx %arg12[%add3A_312, %broadcast_in_dim3A_443] : memref<512x32xf32, #tpu.memory_space<vmem>>[vector<16xi32>, vector<16xi32>], vector<16xf32>,
      %gather3A_445 = tpu.vector_load_idx %arg13[%add3A_312, %broadcast_in_dim3A_443] : memref<512x32xf32, #tpu.memory_space<vmem>>[vector<16xi32>, vector<16xi32>], vector<16xf32>,
      %mul3A_446 = arith.mulf %gather3A_445, %gather3A_444 : vector<16xf32>
      %add3A_447 = arith.addf %add3A_438, %mul3A_446 : vector<16xf32>
      %gather3A_448 = tpu.vector_load_idx %arg14[%add3A_312, %broadcast_in_dim3A_443] : memref<512x32xf32, #tpu.memory_space<vmem>>[vector<16xi32>, vector<16xi32>], vector<16xf32>,
      %mul3A_449 = arith.mulf %gather3A_448, %gather3A_444 : vector<16xf32>
      %add3A_450 = arith.addf %add3A_441, %mul3A_449 : vector<16xf32>
      %broadcast_in_dim3A_451 = arith.constant 15 : i32
      %broadcast_in_dim3A_452 = vector.broadcast %broadcast_in_dim3A_451 : i32 to vector<16xi32>
      %gather3A_453 = tpu.vector_load_idx %arg12[%add3A_312, %broadcast_in_dim3A_452] : memref<512x32xf32, #tpu.memory_space<vmem>>[vector<16xi32>, vector<16xi32>], vector<16xf32>,
      %gather3A_454 = tpu.vector_load_idx %arg13[%add3A_312, %broadcast_in_dim3A_452] : memref<512x32xf32, #tpu.memory_space<vmem>>[vector<16xi32>, vector<16xi32>], vector<16xf32>,
      %mul3A_455 = arith.mulf %gather3A_454, %gather3A_453 : vector<16xf32>
      %add3A_456 = arith.addf %add3A_447, %mul3A_455 : vector<16xf32>
      %gather3A_457 = tpu.vector_load_idx %arg14[%add3A_312, %broadcast_in_dim3A_452] : memref<512x32xf32, #tpu.memory_space<vmem>>[vector<16xi32>, vector<16xi32>], vector<16xf32>,
      %mul3A_458 = arith.mulf %gather3A_457, %gather3A_453 : vector<16xf32>
      %add3A_459 = arith.addf %add3A_450, %mul3A_458 : vector<16xf32>
      %broadcast_in_dim3A_460 = arith.constant 16 : i32
      %broadcast_in_dim3A_461 = vector.broadcast %broadcast_in_dim3A_460 : i32 to vector<16xi32>
      %gather3A_462 = tpu.vector_load_idx %arg12[%add3A_312, %broadcast_in_dim3A_461] : memref<512x32xf32, #tpu.memory_space<vmem>>[vector<16xi32>, vector<16xi32>], vector<16xf32>,
      %gather3A_463 = tpu.vector_load_idx %arg13[%add3A_312, %broadcast_in_dim3A_461] : memref<512x32xf32, #tpu.memory_space<vmem>>[vector<16xi32>, vector<16xi32>], vector<16xf32>,
      %mul3A_464 = arith.mulf %gather3A_463, %gather3A_462 : vector<16xf32>
      %add3A_465 = arith.addf %add3A_456, %mul3A_464 : vector<16xf32>
      %gather3A_466 = tpu.vector_load_idx %arg14[%add3A_312, %broadcast_in_dim3A_461] : memref<512x32xf32, #tpu.memory_space<vmem>>[vector<16xi32>, vector<16xi32>], vector<16xf32>,
      %mul3A_467 = arith.mulf %gather3A_466, %gather3A_462 : vector<16xf32>
      %add3A_468 = arith.addf %add3A_459, %mul3A_467 : vector<16xf32>
      %broadcast_in_dim3A_469 = arith.constant 17 : i32
      %broadcast_in_dim3A_470 = vector.broadcast %broadcast_in_dim3A_469 : i32 to vector<16xi32>
      %gather3A_471 = tpu.vector_load_idx %arg12[%add3A_312, %broadcast_in_dim3A_470] : memref<512x32xf32, #tpu.memory_space<vmem>>[vector<16xi32>, vector<16xi32>], vector<16xf32>,
      %gather3A_472 = tpu.vector_load_idx %arg13[%add3A_312, %broadcast_in_dim3A_470] : memref<512x32xf32, #tpu.memory_space<vmem>>[vector<16xi32>, vector<16xi32>], vector<16xf32>,
      %mul3A_473 = arith.mulf %gather3A_472, %gather3A_471 : vector<16xf32>
      %add3A_474 = arith.addf %add3A_465, %mul3A_473 : vector<16xf32>
      %gather3A_475 = tpu.vector_load_idx %arg14[%add3A_312, %broadcast_in_dim3A_470] : memref<512x32xf32, #tpu.memory_space<vmem>>[vector<16xi32>, vector<16xi32>], vector<16xf32>,
      %mul3A_476 = arith.mulf %gather3A_475, %gather3A_471 : vector<16xf32>
      %add3A_477 = arith.addf %add3A_468, %mul3A_476 : vector<16xf32>
      %broadcast_in_dim3A_478 = arith.constant 18 : i32
      %broadcast_in_dim3A_479 = vector.broadcast %broadcast_in_dim3A_478 : i32 to vector<16xi32>
      %gather3A_480 = tpu.vector_load_idx %arg12[%add3A_312, %broadcast_in_dim3A_479] : memref<512x32xf32, #tpu.memory_space<vmem>>[vector<16xi32>, vector<16xi32>], vector<16xf32>,
      %gather3A_481 = tpu.vector_load_idx %arg13[%add3A_312, %broadcast_in_dim3A_479] : memref<512x32xf32, #tpu.memory_space<vmem>>[vector<16xi32>, vector<16xi32>], vector<16xf32>,
      %mul3A_482 = arith.mulf %gather3A_481, %gather3A_480 : vector<16xf32>
      %add3A_483 = arith.addf %add3A_474, %mul3A_482 : vector<16xf32>
      %gather3A_484 = tpu.vector_load_idx %arg14[%add3A_312, %broadcast_in_dim3A_479] : memref<512x32xf32, #tpu.memory_space<vmem>>[vector<16xi32>, vector<16xi32>], vector<16xf32>,
      %mul3A_485 = arith.mulf %gather3A_484, %gather3A_480 : vector<16xf32>
      %add3A_486 = arith.addf %add3A_477, %mul3A_485 : vector<16xf32>
      %broadcast_in_dim3A_487 = arith.constant 19 : i32
      %broadcast_in_dim3A_488 = vector.broadcast %broadcast_in_dim3A_487 : i32 to vector<16xi32>
      %gather3A_489 = tpu.vector_load_idx %arg12[%add3A_312, %broadcast_in_dim3A_488] : memref<512x32xf32, #tpu.memory_space<vmem>>[vector<16xi32>, vector<16xi32>], vector<16xf32>,
      %gather3A_490 = tpu.vector_load_idx %arg13[%add3A_312, %broadcast_in_dim3A_488] : memref<512x32xf32, #tpu.memory_space<vmem>>[vector<16xi32>, vector<16xi32>], vector<16xf32>,
      %mul3A_491 = arith.mulf %gather3A_490, %gather3A_489 : vector<16xf32>
      %add3A_492 = arith.addf %add3A_483, %mul3A_491 : vector<16xf32>
      %gather3A_493 = tpu.vector_load_idx %arg14[%add3A_312, %broadcast_in_dim3A_488] : memref<512x32xf32, #tpu.memory_space<vmem>>[vector<16xi32>, vector<16xi32>], vector<16xf32>,
      %mul3A_494 = arith.mulf %gather3A_493, %gather3A_489 : vector<16xf32>
      %add3A_495 = arith.addf %add3A_486, %mul3A_494 : vector<16xf32>
      %broadcast_in_dim3A_496 = arith.constant 20 : i32
      %broadcast_in_dim3A_497 = vector.broadcast %broadcast_in_dim3A_496 : i32 to vector<16xi32>
      %gather3A_498 = tpu.vector_load_idx %arg12[%add3A_312, %broadcast_in_dim3A_497] : memref<512x32xf32, #tpu.memory_space<vmem>>[vector<16xi32>, vector<16xi32>], vector<16xf32>,
      %gather3A_499 = tpu.vector_load_idx %arg13[%add3A_312, %broadcast_in_dim3A_497] : memref<512x32xf32, #tpu.memory_space<vmem>>[vector<16xi32>, vector<16xi32>], vector<16xf32>,
      %mul3A_500 = arith.mulf %gather3A_499, %gather3A_498 : vector<16xf32>
      %add3A_501 = arith.addf %add3A_492, %mul3A_500 : vector<16xf32>
      %gather3A_502 = tpu.vector_load_idx %arg14[%add3A_312, %broadcast_in_dim3A_497] : memref<512x32xf32, #tpu.memory_space<vmem>>[vector<16xi32>, vector<16xi32>], vector<16xf32>,
      %mul3A_503 = arith.mulf %gather3A_502, %gather3A_498 : vector<16xf32>
      %add3A_504 = arith.addf %add3A_495, %mul3A_503 : vector<16xf32>
      %broadcast_in_dim3A_505 = arith.constant 21 : i32
      %broadcast_in_dim3A_506 = vector.broadcast %broadcast_in_dim3A_505 : i32 to vector<16xi32>
      %gather3A_507 = tpu.vector_load_idx %arg12[%add3A_312, %broadcast_in_dim3A_506] : memref<512x32xf32, #tpu.memory_space<vmem>>[vector<16xi32>, vector<16xi32>], vector<16xf32>,
      %gather3A_508 = tpu.vector_load_idx %arg13[%add3A_312, %broadcast_in_dim3A_506] : memref<512x32xf32, #tpu.memory_space<vmem>>[vector<16xi32>, vector<16xi32>], vector<16xf32>,
      %mul3A_509 = arith.mulf %gather3A_508, %gather3A_507 : vector<16xf32>
      %add3A_510 = arith.addf %add3A_501, %mul3A_509 : vector<16xf32>
      %gather3A_511 = tpu.vector_load_idx %arg14[%add3A_312, %broadcast_in_dim3A_506] : memref<512x32xf32, #tpu.memory_space<vmem>>[vector<16xi32>, vector<16xi32>], vector<16xf32>,
      %mul3A_512 = arith.mulf %gather3A_511, %gather3A_507 : vector<16xf32>
      %add3A_513 = arith.addf %add3A_504, %mul3A_512 : vector<16xf32>
      %broadcast_in_dim3A_514 = arith.constant 22 : i32
      %broadcast_in_dim3A_515 = vector.broadcast %broadcast_in_dim3A_514 : i32 to vector<16xi32>
      %gather3A_516 = tpu.vector_load_idx %arg12[%add3A_312, %broadcast_in_dim3A_515] : memref<512x32xf32, #tpu.memory_space<vmem>>[vector<16xi32>, vector<16xi32>], vector<16xf32>,
      %gather3A_517 = tpu.vector_load_idx %arg13[%add3A_312, %broadcast_in_dim3A_515] : memref<512x32xf32, #tpu.memory_space<vmem>>[vector<16xi32>, vector<16xi32>], vector<16xf32>,
      %mul3A_518 = arith.mulf %gather3A_517, %gather3A_516 : vector<16xf32>
      %add3A_519 = arith.addf %add3A_510, %mul3A_518 : vector<16xf32>
      %gather3A_520 = tpu.vector_load_idx %arg14[%add3A_312, %broadcast_in_dim3A_515] : memref<512x32xf32, #tpu.memory_space<vmem>>[vector<16xi32>, vector<16xi32>], vector<16xf32>,
      %mul3A_521 = arith.mulf %gather3A_520, %gather3A_516 : vector<16xf32>
      %add3A_522 = arith.addf %add3A_513, %mul3A_521 : vector<16xf32>
      %broadcast_in_dim3A_523 = arith.constant 23 : i32
      %broadcast_in_dim3A_524 = vector.broadcast %broadcast_in_dim3A_523 : i32 to vector<16xi32>
      %gather3A_525 = tpu.vector_load_idx %arg12[%add3A_312, %broadcast_in_dim3A_524] : memref<512x32xf32, #tpu.memory_space<vmem>>[vector<16xi32>, vector<16xi32>], vector<16xf32>,
      %gather3A_526 = tpu.vector_load_idx %arg13[%add3A_312, %broadcast_in_dim3A_524] : memref<512x32xf32, #tpu.memory_space<vmem>>[vector<16xi32>, vector<16xi32>], vector<16xf32>,
      %mul3A_527 = arith.mulf %gather3A_526, %gather3A_525 : vector<16xf32>
      %add3A_528 = arith.addf %add3A_519, %mul3A_527 : vector<16xf32>
      %gather3A_529 = tpu.vector_load_idx %arg14[%add3A_312, %broadcast_in_dim3A_524] : memref<512x32xf32, #tpu.memory_space<vmem>>[vector<16xi32>, vector<16xi32>], vector<16xf32>,
      %mul3A_530 = arith.mulf %gather3A_529, %gather3A_525 : vector<16xf32>
      %add3A_531 = arith.addf %add3A_522, %mul3A_530 : vector<16xf32>
      %broadcast_in_dim3A_532 = arith.constant 24 : i32
      %broadcast_in_dim3A_533 = vector.broadcast %broadcast_in_dim3A_532 : i32 to vector<16xi32>
      %gather3A_534 = tpu.vector_load_idx %arg12[%add3A_312, %broadcast_in_dim3A_533] : memref<512x32xf32, #tpu.memory_space<vmem>>[vector<16xi32>, vector<16xi32>], vector<16xf32>,
      %gather3A_535 = tpu.vector_load_idx %arg13[%add3A_312, %broadcast_in_dim3A_533] : memref<512x32xf32, #tpu.memory_space<vmem>>[vector<16xi32>, vector<16xi32>], vector<16xf32>,
      %mul3A_536 = arith.mulf %gather3A_535, %gather3A_534 : vector<16xf32>
      %add3A_537 = arith.addf %add3A_528, %mul3A_536 : vector<16xf32>
      %gather3A_538 = tpu.vector_load_idx %arg14[%add3A_312, %broadcast_in_dim3A_533] : memref<512x32xf32, #tpu.memory_space<vmem>>[vector<16xi32>, vector<16xi32>], vector<16xf32>,
      %mul3A_539 = arith.mulf %gather3A_538, %gather3A_534 : vector<16xf32>
      %add3A_540 = arith.addf %add3A_531, %mul3A_539 : vector<16xf32>
      %broadcast_in_dim3A_541 = arith.constant 25 : i32
      %broadcast_in_dim3A_542 = vector.broadcast %broadcast_in_dim3A_541 : i32 to vector<16xi32>
      %gather3A_543 = tpu.vector_load_idx %arg12[%add3A_312, %broadcast_in_dim3A_542] : memref<512x32xf32, #tpu.memory_space<vmem>>[vector<16xi32>, vector<16xi32>], vector<16xf32>,
      %gather3A_544 = tpu.vector_load_idx %arg13[%add3A_312, %broadcast_in_dim3A_542] : memref<512x32xf32, #tpu.memory_space<vmem>>[vector<16xi32>, vector<16xi32>], vector<16xf32>,
      %mul3A_545 = arith.mulf %gather3A_544, %gather3A_543 : vector<16xf32>
      %add3A_546 = arith.addf %add3A_537, %mul3A_545 : vector<16xf32>
      %gather3A_547 = tpu.vector_load_idx %arg14[%add3A_312, %broadcast_in_dim3A_542] : memref<512x32xf32, #tpu.memory_space<vmem>>[vector<16xi32>, vector<16xi32>], vector<16xf32>,
      %mul3A_548 = arith.mulf %gather3A_547, %gather3A_543 : vector<16xf32>
      %add3A_549 = arith.addf %add3A_540, %mul3A_548 : vector<16xf32>
      %broadcast_in_dim3A_550 = arith.constant 26 : i32
      %broadcast_in_dim3A_551 = vector.broadcast %broadcast_in_dim3A_550 : i32 to vector<16xi32>
      %gather3A_552 = tpu.vector_load_idx %arg12[%add3A_312, %broadcast_in_dim3A_551] : memref<512x32xf32, #tpu.memory_space<vmem>>[vector<16xi32>, vector<16xi32>], vector<16xf32>,
      %gather3A_553 = tpu.vector_load_idx %arg13[%add3A_312, %broadcast_in_dim3A_551] : memref<512x32xf32, #tpu.memory_space<vmem>>[vector<16xi32>, vector<16xi32>], vector<16xf32>,
      %mul3A_554 = arith.mulf %gather3A_553, %gather3A_552 : vector<16xf32>
      %add3A_555 = arith.addf %add3A_546, %mul3A_554 : vector<16xf32>
      %gather3A_556 = tpu.vector_load_idx %arg14[%add3A_312, %broadcast_in_dim3A_551] : memref<512x32xf32, #tpu.memory_space<vmem>>[vector<16xi32>, vector<16xi32>], vector<16xf32>,
      %mul3A_557 = arith.mulf %gather3A_556, %gather3A_552 : vector<16xf32>
      %add3A_558 = arith.addf %add3A_549, %mul3A_557 : vector<16xf32>
      %broadcast_in_dim3A_559 = arith.constant 27 : i32
      %broadcast_in_dim3A_560 = vector.broadcast %broadcast_in_dim3A_559 : i32 to vector<16xi32>
      %gather3A_561 = tpu.vector_load_idx %arg12[%add3A_312, %broadcast_in_dim3A_560] : memref<512x32xf32, #tpu.memory_space<vmem>>[vector<16xi32>, vector<16xi32>], vector<16xf32>,
      %gather3A_562 = tpu.vector_load_idx %arg13[%add3A_312, %broadcast_in_dim3A_560] : memref<512x32xf32, #tpu.memory_space<vmem>>[vector<16xi32>, vector<16xi32>], vector<16xf32>,
      %mul3A_563 = arith.mulf %gather3A_562, %gather3A_561 : vector<16xf32>
      %add3A_564 = arith.addf %add3A_555, %mul3A_563 : vector<16xf32>
      %gather3A_565 = tpu.vector_load_idx %arg14[%add3A_312, %broadcast_in_dim3A_560] : memref<512x32xf32, #tpu.memory_space<vmem>>[vector<16xi32>, vector<16xi32>], vector<16xf32>,
      %mul3A_566 = arith.mulf %gather3A_565, %gather3A_561 : vector<16xf32>
      %add3A_567 = arith.addf %add3A_558, %mul3A_566 : vector<16xf32>
      %broadcast_in_dim3A_568 = arith.constant 28 : i32
      %broadcast_in_dim3A_569 = vector.broadcast %broadcast_in_dim3A_568 : i32 to vector<16xi32>
      %gather3A_570 = tpu.vector_load_idx %arg12[%add3A_312, %broadcast_in_dim3A_569] : memref<512x32xf32, #tpu.memory_space<vmem>>[vector<16xi32>, vector<16xi32>], vector<16xf32>,
      %gather3A_571 = tpu.vector_load_idx %arg13[%add3A_312, %broadcast_in_dim3A_569] : memref<512x32xf32, #tpu.memory_space<vmem>>[vector<16xi32>, vector<16xi32>], vector<16xf32>,
      %mul3A_572 = arith.mulf %gather3A_571, %gather3A_570 : vector<16xf32>
      %add3A_573 = arith.addf %add3A_564, %mul3A_572 : vector<16xf32>
      %gather3A_574 = tpu.vector_load_idx %arg14[%add3A_312, %broadcast_in_dim3A_569] : memref<512x32xf32, #tpu.memory_space<vmem>>[vector<16xi32>, vector<16xi32>], vector<16xf32>,
      %mul3A_575 = arith.mulf %gather3A_574, %gather3A_570 : vector<16xf32>
      %add3A_576 = arith.addf %add3A_567, %mul3A_575 : vector<16xf32>
      %broadcast_in_dim3A_577 = arith.constant 29 : i32
      %broadcast_in_dim3A_578 = vector.broadcast %broadcast_in_dim3A_577 : i32 to vector<16xi32>
      %gather3A_579 = tpu.vector_load_idx %arg12[%add3A_312, %broadcast_in_dim3A_578] : memref<512x32xf32, #tpu.memory_space<vmem>>[vector<16xi32>, vector<16xi32>], vector<16xf32>,
      %gather3A_580 = tpu.vector_load_idx %arg13[%add3A_312, %broadcast_in_dim3A_578] : memref<512x32xf32, #tpu.memory_space<vmem>>[vector<16xi32>, vector<16xi32>], vector<16xf32>,
      %mul3A_581 = arith.mulf %gather3A_580, %gather3A_579 : vector<16xf32>
      %add3A_582 = arith.addf %add3A_573, %mul3A_581 : vector<16xf32>
      %gather3A_583 = tpu.vector_load_idx %arg14[%add3A_312, %broadcast_in_dim3A_578] : memref<512x32xf32, #tpu.memory_space<vmem>>[vector<16xi32>, vector<16xi32>], vector<16xf32>,
      %mul3A_584 = arith.mulf %gather3A_583, %gather3A_579 : vector<16xf32>
      %add3A_585 = arith.addf %add3A_576, %mul3A_584 : vector<16xf32>
      %broadcast_in_dim3A_586 = arith.constant 30 : i32
      %broadcast_in_dim3A_587 = vector.broadcast %broadcast_in_dim3A_586 : i32 to vector<16xi32>
      %gather3A_588 = tpu.vector_load_idx %arg12[%add3A_312, %broadcast_in_dim3A_587] : memref<512x32xf32, #tpu.memory_space<vmem>>[vector<16xi32>, vector<16xi32>], vector<16xf32>,
      %gather3A_589 = tpu.vector_load_idx %arg13[%add3A_312, %broadcast_in_dim3A_587] : memref<512x32xf32, #tpu.memory_space<vmem>>[vector<16xi32>, vector<16xi32>], vector<16xf32>,
      %mul3A_590 = arith.mulf %gather3A_589, %gather3A_588 : vector<16xf32>
      %add3A_591 = arith.addf %add3A_582, %mul3A_590 : vector<16xf32>
      %gather3A_592 = tpu.vector_load_idx %arg14[%add3A_312, %broadcast_in_dim3A_587] : memref<512x32xf32, #tpu.memory_space<vmem>>[vector<16xi32>, vector<16xi32>], vector<16xf32>,
      %mul3A_593 = arith.mulf %gather3A_592, %gather3A_588 : vector<16xf32>
      %add3A_594 = arith.addf %add3A_585, %mul3A_593 : vector<16xf32>
      %broadcast_in_dim3A_595 = arith.constant 31 : i32
      %broadcast_in_dim3A_596 = vector.broadcast %broadcast_in_dim3A_595 : i32 to vector<16xi32>
      %gather3A_597 = tpu.vector_load_idx %arg12[%add3A_312, %broadcast_in_dim3A_596] : memref<512x32xf32, #tpu.memory_space<vmem>>[vector<16xi32>, vector<16xi32>], vector<16xf32>,
      %gather3A_598 = tpu.vector_load_idx %arg13[%add3A_312, %broadcast_in_dim3A_596] : memref<512x32xf32, #tpu.memory_space<vmem>>[vector<16xi32>, vector<16xi32>], vector<16xf32>,
      %mul3A_599 = arith.mulf %gather3A_598, %gather3A_597 : vector<16xf32>
      %add3A_600 = arith.addf %add3A_591, %mul3A_599 : vector<16xf32>
      %gather3A_601 = tpu.vector_load_idx %arg14[%add3A_312, %broadcast_in_dim3A_596] : memref<512x32xf32, #tpu.memory_space<vmem>>[vector<16xi32>, vector<16xi32>], vector<16xf32>,
      %mul3A_602 = arith.mulf %gather3A_601, %gather3A_597 : vector<16xf32>
      %add3A_603 = arith.addf %add3A_594, %mul3A_602 : vector<16xf32>
      %swap3A = arith.index_cast %mul3A_310 : i32 to index
      %swap3A_604 = tpu.vector_load %arg15[%swap3A] {strides = array<i32>} : memref<512xf32, #tpu.memory_space<vmem>>, vector<16xf32>,
      tpu.vector_store %arg15[%swap3A], %add3A_600 {strides = array<i32>} : memref<512xf32, #tpu.memory_space<vmem>>, vector<16xf32>,
      %swap3A_605 = arith.index_cast %mul3A_310 : i32 to index
      %swap3A_606 = tpu.vector_load %arg16[%swap3A_605] {strides = array<i32>} : memref<512xf32, #tpu.memory_space<vmem>>, vector<16xf32>,
      tpu.vector_store %arg16[%swap3A_605], %add3A_603 {strides = array<i32>} : memref<512xf32, #tpu.memory_space<vmem>>, vector<16xf32>,
      %scan3A_607 = arith.constant 0 : i32
      scf.yield %scan3A_607 : i32
    }
    %scan3A_306 = arith.constant 32 : i32
    "tpu.region"() ({
      %run_scoped3A = tpu.sem_alloc : memref<!tpu.dma_semaphore, #tpu.memory_space<semaphore_mem>>
      %dma_start3A_307 = tpu.memref_slice %arg7[%mul3A_2] : memref<16384xf32, #tpu.memory_space<hbm>> -> memref<512xf32, #tpu.memory_space<hbm>>
      %dma_start3A_308 = tpu.memref_slice %arg7[%mul3A_2] : memref<16384xf32, #tpu.memory_space<hbm>> -> memref<512xf32, #tpu.memory_space<hbm>>
      tpu.enqueue_dma source(%arg15 : memref<512xf32, #tpu.memory_space<vmem>>) target(%dma_start3A_308 : memref<512xf32, #tpu.memory_space<hbm>>) target_semaphore(%run_scoped3A : memref<!tpu.dma_semaphore, #tpu.memory_space<semaphore_mem>>)
      %dma_wait3A_309 = tpu.memref_slice %arg7[%mul3A_2] : memref<16384xf32, #tpu.memory_space<hbm>> -> memref<512xf32, #tpu.memory_space<hbm>>
      %dma_wait3A_310 = tpu.memref_slice %arg7[%mul3A_2] : memref<16384xf32, #tpu.memory_space<hbm>> -> memref<512xf32, #tpu.memory_space<hbm>>
      tpu.wait_dma2 semaphore(%run_scoped3A : memref<!tpu.dma_semaphore, #tpu.memory_space<semaphore_mem>>) src(%arg15 : memref<512xf32, #tpu.memory_space<vmem>>) dst(%dma_wait3A_310 : memref<512xf32, #tpu.memory_space<hbm>>)
      tpu.yield
    }) : () -> ()
    "tpu.region"() ({
      %run_scoped3A = tpu.sem_alloc : memref<!tpu.dma_semaphore, #tpu.memory_space<semaphore_mem>>
      %dma_start3A_307 = tpu.memref_slice %arg8[%mul3A_2] : memref<16384xf32, #tpu.memory_space<hbm>> -> memref<512xf32, #tpu.memory_space<hbm>>
      %dma_start3A_308 = tpu.memref_slice %arg8[%mul3A_2] : memref<16384xf32, #tpu.memory_space<hbm>> -> memref<512xf32, #tpu.memory_space<hbm>>
      tpu.enqueue_dma source(%arg16 : memref<512xf32, #tpu.memory_space<vmem>>) target(%dma_start3A_308 : memref<512xf32, #tpu.memory_space<hbm>>) target_semaphore(%run_scoped3A : memref<!tpu.dma_semaphore, #tpu.memory_space<semaphore_mem>>)
      %dma_wait3A_309 = tpu.memref_slice %arg8[%mul3A_2] : memref<16384xf32, #tpu.memory_space<hbm>> -> memref<512xf32, #tpu.memory_space<hbm>>
      %dma_wait3A_310 = tpu.memref_slice %arg8[%mul3A_2] : memref<16384xf32, #tpu.memory_space<hbm>> -> memref<512xf32, #tpu.memory_space<hbm>>
      tpu.wait_dma2 semaphore(%run_scoped3A : memref<!tpu.dma_semaphore, #tpu.memory_space<semaphore_mem>>) src(%arg16 : memref<512xf32, #tpu.memory_space<vmem>>) dst(%dma_wait3A_310 : memref<512xf32, #tpu.memory_space<hbm>>)
      tpu.yield
    }) : () -> ()
    return
  }
}

</mosaic_0001>

<sc_bundles>
// kernel: _sc_scores.3.cloned.1.call-start
scs
__scs_entry_jumppad:
0x0: {  	(pc) =	sbr.rel $0x88, $3  }
0x1: {  	(tag) =	ssettag $0x0;
	lr =	simm.s32 $0x1  }
0x2: {  	[smem:$0x3F9C] =	sst lr;
	_ =	strace $0xD0000000  }
0x3: {  	_ = 	snop  }
0x4: {  	_ = 	snop  }
0x5: {  	_ = 	snop  }
0x6: {  	_ = 	snop  }
0x7: {  	_ = 	snop  }
__scs_overlays_trampoline_lowered:
0x8: {  	[smem:$0x3FAB] =	sst s0  }
0x9: {  	[smem:$0x3FAC] =	sst s1  }
0xa: {  	[smem:$0x3FAD] =	sst s2  }
0xb: {  	[smem:$0x3FAE] =	sst s3  }
0xc: {  	[smem:$0x3FAF] =	sst s4  }
0xd: {  	[smem:$0x3FB0] =	sst s5  }
0xe: {  	[smem:$0x3FB1] =	sst s6  }
0xf: {  	[smem:$0x3FB2] =	sst s7  }
0x10: {  	[smem:$0x3FB3] =	sst s8  }
0x11: {  	[smem:$0x3FB4] =	sst s9;
	s0 =	simm.s32 @!p0 $0x0  }
0x12: {  	s1 =	sld [smem:$0x3F9A];
	s0 =	simm.s32 @p0 $0x1  }
0x13: {  	[smem:$0x3FB5] =	sst s0;
	s0 =	simm.s32 @!p1 $0x0  }
0x14: {  	s2 =	sld [smem:$0x3F99];
	s0 =	simm.s32 @p1 $0x1  }
0x15: {  	[smem:$0x3FB6] =	sst s0;
	s0 =	simm.s32 @!p2 $0x0  }
0x16: {  	s3 =	sld [smem:$0x3FDB];
	s0 =	simm.s32 @p2 $0x1  }
0x17: {  	s4 =	simm.s32 $0x1BF5;
	[smem:$0x3FB8] =	sst s0  }
0x18: {  	s0 =	sld [smem:$0x3F9B];
	_ =	swait.ge [sflag:s4], $0x0  }
0x19: {  	s7 =	sld [smem:$0x3F9C]  }
0x1a: {  	s8 =	sadd.s32 $0xFFFFE003, lr  }
0x1b: {  	s9 =	sadd.s32 $0xFFFFFEF7, lr;
	s5 =	simm.s32 $0xFFFFFFFF;
	p2 =	slt.u32 s8, $0xFFFFF086  }
0x1c: {  	p1 =	slt.u32 s9, $0xF7A;
	s5 =	simm.s32 @!p2 $0x0  }
0x1d: {  	s5 =	simm.s32 @p1 $0x1;
	p0 =	seq.s32 s7, s2  }
0x1e: {  	s7 =	smul.u32 @!p0 $0xF7A, s2;
	p2 =	seq.s32 @!p0 s5, $0x0  }
0x1f: {  	s9 =	smul.u32 $0xF7A, s1;
	s8 =	simm.s32 @!p0 $0x1BF5;
	p2 =	por !p2, p0  }
0x20: {  	[sflag:s8] =	ssyncset.s32 @!p0 $0xFFFFF086;
	s6 =	sadd.s32 @!p0 s3, s7;
	s7 =	simm.s32 @!p0 $0x108  }
0x21: {  	s3 =	sadd.s32 s3, s9;
	s6 =	sadd.s32 @!p0 $0x88, s6;
	s7 =	simm.s32 @p2 $0x1082  }
0x22: {  	[simem:s7], [sflag:s8] =	dma.local @!p0 [hbm:s6], $0xF7A  }
0x23: {  	s9 =	sor.u32 $0xD0000000, s2;
	s6 =	simm.s32 $0x108;
	_ =	swait.ge @!p0 [sflag:s8], $0x0  }
0x24: {  	s3 =	sadd.s32 $0x88, s3;
	s6 =	simm.s32 @!p1 $0x1082;
	[sflag:s4] =	ssyncset.s32 $0xFFFFF086  }
0x25: {  	[simem:s6], [sflag:s4] =	dma.local [hbm:s3], $0xF7A  }
0x26: {  	[smem:$0x3F9C] =	sst s1;
	(tag) =	ssettag s2;
	_ =	strace s9  }
0x27: {  	s1 =	sld [smem:$0x3FAC]  }
0x28: {  	s2 =	sld [smem:$0x3FAD]  }
0x29: {  	s4 =	sld [smem:$0x3FAF]  }
0x2a: {  	p0 =	seq.s32 s5, $0x0;
	s5 =	sld [smem:$0x3FB0]  }
0x2b: {  	s6 =	sld [smem:$0x3FB1]  }
0x2c: {  	s7 =	sld [smem:$0x3FB2]  }
0x2d: {  	s3 =	simm.s32 $0x108;
	s8 =	sld [smem:$0x3FB3]  }
0x2e: {  	s3 =	simm.s32 @!p0 $0x1082;
	s9 =	sld [smem:$0x3FB4]  }
0x2f: {  	lr =	sadd.s32 s0, s3;
	s0 =	sld [smem:$0x3FAB]  }
0x30: {  	s3 =	sld [smem:$0x3FAE]  }
0x31: {  	[smem:$0x3FB7] =	sst s10  }
0x32: {  	s10 =	sld [smem:$0x3FB5];
	_ =	sdelay $0x3  }
0x33: {  	p0 =	seq.s32 s10, $0x1;
	s10 =	sld [smem:$0x3FB7];
	_ =	sdelay $0x3  }
0x34: {  	[smem:$0x3FB7] =	sst s10  }
0x35: {  	s10 =	sld [smem:$0x3FB6];
	_ =	sdelay $0x3  }
0x36: {  	p1 =	seq.s32 s10, $0x1;
	s10 =	sld [smem:$0x3FB7];
	_ =	sdelay $0x3  }
0x37: {  	[smem:$0x3FB7] =	sst s10  }
0x38: {  	s10 =	sld [smem:$0x3FB8]  }
0x39: {  	_ = 	snop;
	(pc) =	sbr.ind lr, $3  }
0x3a: {  	_ = 	snop  }
0x3b: {  	_ = 	snop  }
0x3c: {  	p2 =	seq.s32 s10, $0x1;
	s10 =	sld [smem:$0x3FB7]  }
0x3d: {  	_ =	shalt  }
0x3e: {  	_ =	shalt  }
0x3f: {  	_ =	shalt  }
0x40: {  	_ =	shalt  }
0x41: {  	_ =	shalt  }
0x42: {  	_ =	shalt  }
0x43: {  	_ =	shalt  }
0x44: {  	_ =	shalt  }
0x45: {  	_ =	shalt  }
0x46: {  	_ =	shalt  }
0x47: {  	_ =	shalt  }
0x48: {  	_ =	shalt  }
0x49: {  	_ =	shalt  }
0x4a: {  	_ =	shalt  }
0x4b: {  	_ =	shalt  }
0x4c: {  	_ =	shalt  }
0x4d: {  	_ =	shalt  }
0x4e: {  	_ =	shalt  }
0x4f: {  	_ =	shalt  }
0x50: {  	_ =	shalt  }
0x51: {  	_ =	shalt  }
0x52: {  	_ =	shalt  }
0x53: {  	_ =	shalt  }
0x54: {  	_ =	shalt  }
0x55: {  	_ =	shalt  }
0x56: {  	_ =	shalt  }
0x57: {  	_ =	shalt  }
0x58: {  	_ =	shalt  }
0x59: {  	_ =	shalt  }
0x5a: {  	_ =	shalt  }
0x5b: {  	_ =	shalt  }
0x5c: {  	_ =	shalt  }
0x5d: {  	_ =	shalt  }
0x5e: {  	_ =	shalt  }
0x5f: {  	_ =	shalt  }
0x60: {  	_ =	shalt  }
0x61: {  	_ =	shalt  }
0x62: {  	_ =	shalt  }
0x63: {  	_ =	shalt  }
0x64: {  	_ =	shalt  }
0x65: {  	_ =	shalt  }
0x66: {  	_ =	shalt  }
0x67: {  	_ =	shalt  }
0x68: {  	_ =	shalt  }
0x69: {  	_ =	shalt  }
0x6a: {  	_ =	shalt  }
0x6b: {  	_ =	shalt  }
0x6c: {  	_ =	shalt  }
0x6d: {  	_ =	shalt  }
0x6e: {  	_ =	shalt  }
0x6f: {  	_ =	shalt  }
0x70: {  	_ =	shalt  }
0x71: {  	_ =	shalt  }
0x72: {  	_ =	shalt  }
0x73: {  	_ =	shalt  }
0x74: {  	_ =	shalt  }
0x75: {  	_ =	shalt  }
0x76: {  	_ =	shalt  }
0x77: {  	_ =	shalt  }
0x78: {  	_ =	shalt  }
0x79: {  	_ =	shalt  }
0x7a: {  	_ =	shalt  }
0x7b: {  	_ =	shalt  }
0x7c: {  	_ =	shalt  }
0x7d: {  	_ =	shalt  }
0x7e: {  	_ =	shalt  }
0x7f: {  	_ =	shalt  }
0x80: {  	_ =	shalt  }
0x81: {  	_ =	shalt  }
0x82: {  	_ =	shalt  }
0x83: {  	_ =	shalt  }
0x84: {  	_ =	shalt  }
0x85: {  	_ =	shalt  }
0x86: {  	_ =	shalt  }
0x87: {  	_ =	shalt  }
.Lfunc_end0:
.L_simem_size_0:
called_computation_lowered:
.L_overlay_start_0:
0x88: {  	s2 =	sld [smem:$0x3FD9]  }
0x89: {  	s3 =	sld [smem:$0x3FFE];
	_ =	sdelay $0x1  }
0x8a: {  	s1 =	srdreg.scid  }
0x8b: {  	s0 =	sand.u32 $0x1, s1  }
0x8c: {  	s14 =	sshll.u32 s0, $0xA;
	s2 =	sadd.s32 s3, s2  }
0x8d: {  	s2 =	sadd.s32 s2, s14  }
0x8e: {  	[smem:$0x3FC3] =	sst s2  }
0x8f: {  	_ = 	snop  }
0x90: {  	s2 =	sld [smem:$0x3FD0];
	_ =	sdelay $0x1  }
0x91: {  	s15 =	sld [smem:$0x3FC9]  }
0x92: {  	s5 =	simm.s32 $0xA;
	s6 =	simm.s32 $0x10;
	s4 =	sld [smem:$0x3FC8]  }
0x93: {  	[smem:s6], [sflag:s5] =	dma.local [hbm:s2], $0x1  }
0x94: {  	_ =	swait.eq [sflag:s5], $0x1  }
0x95: {  	[sflag:s5] =	ssyncset.done $0x0  }
0x96: {  	s16 =	sld [smem:$0x10];
	[sflag:s5] =	ssyncadd.s32 $0xFFFFFFFF  }
0x97: {  	s17 =	sld [smem:$0x11];
	(tm) =	ssettm $0x1  }
0x98: {  	s18 =	sld [smem:$0x3FFB];
	_ =	sdelay $0x3  }
0x99: {  	_ =	strace s18  }
0x9a: {  	s6 =	sld [smem:$0x3FFC];
	_ =	sdelay $0x3  }
0x9b: {  	_ =	strace s6  }
0x9c: {  	s6 =	sld [smem:$0x3FFD];
	_ =	sdelay $0x3  }
0x9d: {  	_ =	strace s6  }
0x9e: {  	_ =	strace $0x8FFFFFFF  }
0x9f: {  	s19 =	sld [smem:$0x3FDB];
	_ =	sdelay $0x1  }
0xa0: {  	s7 =	simm.s32 $_scs_section_size  }
0xa1: {  	s8 =	simm.s32 $_size__tile_overlayer_lowered;
	s9 =	simm.s32 $_tile_overlayer_lowered  }
0xa2: {  	s22 =	simm.s32 $0x1BFF;
	s21 =	sshll.u32 s9, $0x1;
	s6 =	sadd.s32 s7, s19  }
0xa3: {  	s10 =	simm.s32 $0x0;
	s20 =	sshll.u32 s8, $0x1;
	s8 =	sadd.s32 s21, s6  }
0xa4: {  	[timem:s10], [sflag:s22] =	dma.local [hbm:s8], s20  }
0xa5: {  	_ =	swait.ge [sflag:s22], s20  }
0xa6: {  	s7 =	ssub.s32 $0x0, s20;
	[sflag:s22] =	ssyncset.done $0x0  }
0xa7: {  	[sflag:s22] =	ssyncadd.s32 s7;
	_ =	sdelay $0x1  }
0xa8: {  	s23 =	simm.s32 $0x1B8B  }
0xa9: {  	_ =	swait.ge [sflag:s23], $0x1  }
0xaa: {  	[sflag:s23] =	ssyncset.done $0x0  }
0xab: {  	s25 =	simm.s32 $0x1B8E;
	s24 =	sld [smem:$0x3FFE];
	[sflag:s23] =	ssyncadd.s32 $0xFFFFFFFF  }
0xac: {  	s26 =	simm.s32 $execute0_lowered;
	[smem:$0x3FD2] =	sst s25  }
0xad: {  	s8 =	sshll.u32 s26, $0x1;
	_ =	strace $0x80000046;
	[dreg:$0x1] =	wrdreg $0xFFFFFFFF  }
0xae: {  	s28 =	simm.s32 $_size_execute0_lowered;
	s6 =	sadd.s32 s6, s8;
	[dreg:$0x0] =	wrdreg $0x0  }
0xaf: {  	s8 =	sshll.u32 s28, $0x1;
	[dreg:$0x2] =	wrdreg s6  }
0xb0: {  	[dreg:$0x3] =	wrdreg s8  }
0xb1: {  	[dreg:$0x4] =	wrdreg $0xC0  }
0xb2: {  	_ =	task [dreg:s10], $0x5FFFF  }
0xb3: {  	[dreg:$0x1] =	wrdreg $0xFFFFFFFF  }
0xb4: {  	[dreg:$0x0] =	wrdreg $0x60  }
0xb5: {  	[dreg:$0x2] =	wrdreg s15  }
0xb6: {  	[dreg:$0x3] =	wrdreg s4  }
0xb7: {  	[dreg:$0x4] =	wrdreg s24  }
0xb8: {  	[dreg:$0x5] =	wrdreg s16  }
0xb9: {  	[dreg:$0x6] =	wrdreg s17  }
0xba: {  	[dreg:$0x7] =	wrdreg $0x9  }
0xbb: {  	_ =	task.clear_ibuf [dreg:s10], $0x8FFFF;
	_ =	strace $0x90000046  }
0xbc: {  	s29 =	simm.s32 $0x9;
	_ =	strace $0x80000048  }
0xbd: {  	_ =	swait.ge [sflag:s29], $0x1  }
0xbe: {  	[sflag:s29] =	ssyncadd.s32 $0xFFFFFFFF  }
0xbf: {  	_ =	strace $0x90000048  }
0xc0: {  	_ =	sfence  }
0xc1: {  	s30 =	sld [smem:$0x0];
	_ =	sdelay $0x2  }
0xc2: {  	s31 =	sshll.u32 s1, $0xD;
	s1 =	sshrl.u32 s1, $0x2  }
0xc3: {  	s3 =	sand.u32 $0x4000, s31;
	s1 =	sadd.s32 s1, s30  }
0xc4: {  	s0 =	sor.u32 s3, s0;
	s1 =	sshll.u32 s1, $0x11  }
0xc5: {  	s0 =	sor.u32 s1, s0  }
0xc6: {  	s0 =	sadd.s32 $0x8F2B, s0  }
0xc7: {  	[sflag:s0] =	ssyncadd.remote.s32 $0x1  }
0xc8: {  	_ =	sfence.sel $0xFFFF  }
0xc9: {  	[dreg:$0x0] =	wrdreg $0xFFFFFFFF;
	(pc) =	sbr.abs _section_cstart, $3  }
0xca: {  	[dreg:$0x1] =	wrdreg $0xFFFFFFFF  }
0xcb: {  	_ =	task.clear_ibuf [dreg:s10], $0x2FFFF;
	_ =	strace $0x9FFFFFFF  }
0xcc: {  	(tm) =	ssettm $0x7FFFFFFF  }
0xcd: {  	_ =	shalt  }
tec
execute0_lowered:
.L_overlay_start_1:
0x0: {  	(tag) =	ssettag $0x1  }
0x1: {  	s0 =	rddreg [dreg:$0x0]  }
0x2: {  	s1 =	rddreg [dreg:$0x1]  }
0x3: {  	s4 =	rddreg [dreg:$0x2]  }
0x4: {  	s8 =	rddreg [dreg:$0x3]  }
0x5: {  	s9 =	rddreg [dreg:$0x4];
	s2 =	srdreg.scid  }
0x6: {  	s5 =	stileid.u32;
	s12 =	simm.s32 $0x200;
	s14 =	simm.s32 $0x400  }
0x7: {  	s15 =	simm.s32 $0x2C00;
	s16 =	simm.s32 $0x6C00;
	s17 =	simm.s32 $0xAC00  }
0x8: {  	s29 =	simm.s32 $0x1A00;
	s30 =	simm.s32 $0x1C00;
	s31 =	simm.s32 $0x1E00  }
0x9: {  	s13 =	simm.s32 $0x2400;
	s18 =	simm.s32 $0x2600;
	s19 =	simm.s32 $0x2800  }
0xa: {  	s20 =	simm.s32 $0x2A00;
	s21 =	simm.s32 $0x1;
	s22 =	simm.s32 $0xEC00  }
0xb: {  	s23 =	simm.s32 $0xEE00;
	s24 =	simm.s32 $0x0;
	s3 =	sand.u32 $0x1, s2  }
0xc: {  	s2 =	simm.s32 $0x0;
	s5 =	sshll.u32 s5, $0x7;
	s6 =	sshll.u32 s3, $0x6  }
0xd: {  	[smem:$0x7FF] =	sst s2;
	s26 =	ssub.s32 $0x2, s3;
	s3 =	sadd.s32 $0x1313800, s4  }
0xe: {  	s10 =	sor.u32 s6, s5;
	_ =	strace $0x80000047;
	s28 =	sshrl.u32 s26, $0x1  }
0xf: {  	v1 =	vlaneseq.u32;
	s7 =	sadd.s32 s10, s4;
	s4 =	sadd.s32 $0xF42E00, s4;
	s11 =	ssub.s32 s26, s28  }
0x10: {  	v1 =	vmul.u32 $0x20, v1;
	s5 =	sadd.s32 s0, s10;
	s6 =	sadd.s32 s1, s10;
	s8 =	sadd.s32 s8, s10  }
0x11: {  	s9 =	sadd.s32 s9, s10;
	s0 =	simm.s32 $0x2000;
	s1 =	simm.s32 $0x2200  }
0x12: {  	v0 =	vimm.f32 $0.0e+00;
	[tilespmem:$0x1FFF0] =	vst v1;
	s7 =	sadd.s32 $0xA00, s7;
	s10 =	smax.u32 s11, $0x1;
	s11 =	simm.s32 $0x2  }
.LBB2_1:
0x13: {  	s25 =	simm.s32 $0x80;
	s26 =	simm.s32 $0x0  }
.LBB2_2:
0x14: {  	p0 =	sne.s32 s25, $0xFF80;
	[tilespmem:s26+$0xAC00] =	vst v0;
	s28 =	smov.u32 s25;
	s25 =	sadd.s32 $0x80, s25  }
.Ltmp0:
0x15: {  	[tilespmem:s26+$0xAC10] =	vst v0;
	(pc) =	sbr.rel @p0 .LBB2_2-.Ltmp0, $2  }
0x16: {  	_ =	sdelay $0x2  }
0x17: {  	s26 =	sshra.s32 s28, $0x2  }
0x18: {  	[tilespmem:s26+$0xAC00] =	vst v0  }
0x19: {  	[tilespmem:s26+$0xAC10] =	vst v0;
	s25 =	simm.s32 $0x0  }
0x1a: {  	[tilespmem:s25], [sflag:$0x2] =	stream.linear.gather [hbm4b:s5+s25], $0x200, $0x38;
	[tilespmem:$0xF000] =	vst v63  }
0x1b: {  	_ =	swait.ge [sflag:s11], $0x200  }
0x1c: {  	[sflag:s11] =	ssyncset.done $0x0  }
0x1d: {  	[sflag:s11] =	ssyncadd.s32 $0xFFFFFE00  }
0x1e: {  	[tilespmem:s12], [sflag:$0x2] =	stream.linear.gather [hbm4b:s6+s25], $0x200, $0x38;
	[tilespmem:$0xF000] =	vst v63  }
0x1f: {  	_ =	swait.ge [sflag:s11], $0x200  }
0x20: {  	[sflag:s11] =	ssyncset.done $0x0  }
0x21: {  	s26 =	simm.s32 $0x4000;
	[sflag:s11] =	ssyncadd.s32 $0xFFFFFE00  }
0x22: {  	[tilespmem:s14], [sflag:$0x2] =	stream.strided.gather [hbm4b:s7+s12], $0x2800, s26, s12, $0x38;
	[tilespmem:$0xF000] =	vst v63  }
0x23: {  	_ =	swait.ge [sflag:s11], $0x2800  }
0x24: {  	[sflag:s11] =	ssyncset.done $0x0  }
0x25: {  	[sflag:s11] =	ssyncadd.s32 $0xFFFFD800  }
0x26: {  	[tilespmem:s15], [sflag:$0x1] =	stream.indirect.gather [hbm4b:s3+s12], $0x20, s25, s12, $0xb8;
	[tilespmem:$0xF000] =	vst v63  }
0x27: {  	_ = 	snop  }
0x28: {  	[tilespmem:s16], [sflag:$0x1] =	stream.indirect.gather [hbm4b:s4+s12], $0x20, s12, s12, $0xb8;
	[tilespmem:$0xF000] =	vst v63  }
0x29: {  	_ = 	snop  }
0x2a: {  	[tilespmem:s17], [sflag:$0x1] =	stream.indirect.gather.add.f32 [hbm:s4], $0x20, s14, s12, $0xb8;
	[tilespmem:$0xF000] =	vst v63  }
0x2b: {  	s26 =	simm.s32 $0x600  }
0x2c: {  	[tilespmem:s17], [sflag:$0x1] =	stream.indirect.gather.add.f32 [hbm:s4], $0x20, s26, s12, $0xb8;
	[tilespmem:$0xF000] =	vst v63  }
0x2d: {  	s26 =	simm.s32 $0x800  }
0x2e: {  	[tilespmem:s17], [sflag:$0x1] =	stream.indirect.gather.add.f32 [hbm:s4], $0x20, s26, s12, $0xb8;
	[tilespmem:$0xF000] =	vst v63  }
0x2f: {  	s26 =	simm.s32 $0xA00  }
0x30: {  	[tilespmem:s17], [sflag:$0x1] =	stream.indirect.gather.add.f32 [hbm:s4], $0x20, s26, s12, $0xb8;
	[tilespmem:$0xF000] =	vst v63  }
0x31: {  	s26 =	simm.s32 $0xC00  }
0x32: {  	[tilespmem:s17], [sflag:$0x1] =	stream.indirect.gather.add.f32 [hbm:s4], $0x20, s26, s12, $0xb8;
	[tilespmem:$0xF000] =	vst v63  }
0x33: {  	s26 =	simm.s32 $0xE00  }
0x34: {  	[tilespmem:s17], [sflag:$0x1] =	stream.indirect.gather.add.f32 [hbm:s4], $0x20, s26, s12, $0xb8;
	[tilespmem:$0xF000] =	vst v63  }
0x35: {  	s26 =	simm.s32 $0x1000  }
0x36: {  	[tilespmem:s17], [sflag:$0x1] =	stream.indirect.gather.add.f32 [hbm:s4], $0x20, s26, s12, $0xb8;
	[tilespmem:$0xF000] =	vst v63  }
0x37: {  	s26 =	simm.s32 $0x1200  }
0x38: {  	[tilespmem:s17], [sflag:$0x1] =	stream.indirect.gather.add.f32 [hbm:s4], $0x20, s26, s12, $0xb8;
	[tilespmem:$0xF000] =	vst v63  }
0x39: {  	s26 =	simm.s32 $0x1400  }
0x3a: {  	[tilespmem:s17], [sflag:$0x1] =	stream.indirect.gather.add.f32 [hbm:s4], $0x20, s26, s12, $0xb8;
	[tilespmem:$0xF000] =	vst v63  }
0x3b: {  	s26 =	simm.s32 $0x1600  }
0x3c: {  	[tilespmem:s17], [sflag:$0x1] =	stream.indirect.gather.add.f32 [hbm:s4], $0x20, s26, s12, $0xb8;
	[tilespmem:$0xF000] =	vst v63  }
0x3d: {  	s26 =	simm.s32 $0x1800  }
0x3e: {  	[tilespmem:s17], [sflag:$0x1] =	stream.indirect.gather.add.f32 [hbm:s4], $0x20, s26, s12, $0xb8;
	[tilespmem:$0xF000] =	vst v63  }
0x3f: {  	_ = 	snop  }
0x40: {  	[tilespmem:s17], [sflag:$0x1] =	stream.indirect.gather.add.f32 [hbm:s4], $0x20, s29, s12, $0xb8;
	[tilespmem:$0xF000] =	vst v63  }
0x41: {  	_ = 	snop  }
0x42: {  	[tilespmem:s17], [sflag:$0x1] =	stream.indirect.gather.add.f32 [hbm:s4], $0x20, s30, s12, $0xb8;
	[tilespmem:$0xF000] =	vst v63  }
0x43: {  	_ = 	snop  }
0x44: {  	[tilespmem:s17], [sflag:$0x1] =	stream.indirect.gather.add.f32 [hbm:s4], $0x20, s31, s12, $0xb8;
	[tilespmem:$0xF000] =	vst v63  }
0x45: {  	_ = 	snop  }
0x46: {  	[tilespmem:s17], [sflag:$0x1] =	stream.indirect.gather.add.f32 [hbm:s4], $0x20, s0, s12, $0xb8;
	[tilespmem:$0xF000] =	vst v63  }
0x47: {  	_ = 	snop  }
0x48: {  	[tilespmem:s17], [sflag:$0x1] =	stream.indirect.gather.add.f32 [hbm:s4], $0x20, s1, s12, $0xb8;
	[tilespmem:$0xF000] =	vst v63  }
0x49: {  	_ = 	snop  }
0x4a: {  	[tilespmem:s17], [sflag:$0x1] =	stream.indirect.gather.add.f32 [hbm:s4], $0x20, s13, s12, $0xb8;
	[tilespmem:$0xF000] =	vst v63  }
0x4b: {  	_ = 	snop  }
0x4c: {  	[tilespmem:s17], [sflag:$0x1] =	stream.indirect.gather.add.f32 [hbm:s4], $0x20, s18, s12, $0xb8;
	[tilespmem:$0xF000] =	vst v63  }
0x4d: {  	_ = 	snop  }
0x4e: {  	[tilespmem:s17], [sflag:$0x1] =	stream.indirect.gather.add.f32 [hbm:s4], $0x20, s19, s12, $0xb8;
	[tilespmem:$0xF000] =	vst v63  }
0x4f: {  	_ = 	snop  }
0x50: {  	[tilespmem:s17], [sflag:$0x1] =	stream.indirect.gather.add.f32 [hbm:s4], $0x20, s20, s12, $0xb8;
	[tilespmem:$0xF000] =	vst v63  }
0x51: {  	_ =	swait.ge [sflag:s21], $0x4000  }
0x52: {  	[sflag:s21] =	ssyncset.done $0x0  }
0x53: {  	[sflag:s21] =	ssyncadd.s32 $0xFFFFC000  }
0x54: {  	_ =	swait.ge [sflag:s21], $0x4000  }
0x55: {  	[sflag:s21] =	ssyncset.done $0x0  }
0x56: {  	[sflag:s21] =	ssyncadd.s32 $0xFFFFC000  }
0x57: {  	_ =	swait.ge [sflag:s21], $0x4000  }
0x58: {  	[sflag:s21] =	ssyncset.done $0x0  }
0x59: {  	[sflag:s21] =	ssyncadd.s32 $0xFFFFC000  }
0x5a: {  	_ =	swait.ge [sflag:s21], $0x4000  }
0x5b: {  	[sflag:s21] =	ssyncset.done $0x0  }
0x5c: {  	[sflag:s21] =	ssyncadd.s32 $0xFFFFC000  }
0x5d: {  	_ =	swait.ge [sflag:s21], $0x4000  }
0x5e: {  	[sflag:s21] =	ssyncset.done $0x0  }
0x5f: {  	[sflag:s21] =	ssyncadd.s32 $0xFFFFC000  }
0x60: {  	_ =	swait.ge [sflag:s21], $0x4000  }
0x61: {  	[sflag:s21] =	ssyncset.done $0x0  }
0x62: {  	[sflag:s21] =	ssyncadd.s32 $0xFFFFC000  }
0x63: {  	_ =	swait.ge [sflag:s21], $0x4000  }
0x64: {  	[sflag:s21] =	ssyncset.done $0x0  }
0x65: {  	[sflag:s21] =	ssyncadd.s32 $0xFFFFC000  }
0x66: {  	_ =	swait.ge [sflag:s21], $0x4000  }
0x67: {  	[sflag:s21] =	ssyncset.done $0x0  }
0x68: {  	[sflag:s21] =	ssyncadd.s32 $0xFFFFC000  }
0x69: {  	_ =	swait.ge [sflag:s21], $0x4000  }
0x6a: {  	[sflag:s21] =	ssyncset.done $0x0  }
0x6b: {  	[sflag:s21] =	ssyncadd.s32 $0xFFFFC000  }
0x6c: {  	_ =	swait.ge [sflag:s21], $0x4000  }
0x6d: {  	[sflag:s21] =	ssyncset.done $0x0  }
0x6e: {  	[sflag:s21] =	ssyncadd.s32 $0xFFFFC000  }
0x6f: {  	_ =	swait.ge [sflag:s21], $0x4000  }
0x70: {  	[sflag:s21] =	ssyncset.done $0x0  }
0x71: {  	[sflag:s21] =	ssyncadd.s32 $0xFFFFC000  }
0x72: {  	_ =	swait.ge [sflag:s21], $0x4000  }
0x73: {  	[sflag:s21] =	ssyncset.done $0x0  }
0x74: {  	[sflag:s21] =	ssyncadd.s32 $0xFFFFC000  }
0x75: {  	_ =	swait.ge [sflag:s21], $0x4000  }
0x76: {  	[sflag:s21] =	ssyncset.done $0x0  }
0x77: {  	[sflag:s21] =	ssyncadd.s32 $0xFFFFC000  }
0x78: {  	_ =	swait.ge [sflag:s21], $0x4000  }
0x79: {  	[sflag:s21] =	ssyncset.done $0x0  }
0x7a: {  	[sflag:s21] =	ssyncadd.s32 $0xFFFFC000  }
0x7b: {  	_ =	swait.ge [sflag:s21], $0x4000  }
0x7c: {  	[sflag:s21] =	ssyncset.done $0x0  }
0x7d: {  	[sflag:s21] =	ssyncadd.s32 $0xFFFFC000  }
0x7e: {  	_ =	swait.ge [sflag:s21], $0x4000  }
0x7f: {  	[sflag:s21] =	ssyncset.done $0x0  }
0x80: {  	[sflag:s21] =	ssyncadd.s32 $0xFFFFC000  }
0x81: {  	_ =	swait.ge [sflag:s21], $0x4000  }
0x82: {  	[sflag:s21] =	ssyncset.done $0x0  }
0x83: {  	[sflag:s21] =	ssyncadd.s32 $0xFFFFC000  }
0x84: {  	_ =	swait.ge [sflag:s21], $0x4000  }
0x85: {  	[sflag:s21] =	ssyncset.done $0x0  }
0x86: {  	[sflag:s21] =	ssyncadd.s32 $0xFFFFC000  }
0x87: {  	_ =	swait.ge [sflag:s21], $0x4000  }
0x88: {  	[sflag:s21] =	ssyncset.done $0x0  }
0x89: {  	[sflag:s21] =	ssyncadd.s32 $0xFFFFC000  }
0x8a: {  	_ =	swait.ge [sflag:s21], $0x4000  }
0x8b: {  	v2 =	vmov s25;
	[sflag:s21] =	ssyncset.done $0x0  }
0x8c: {  	v2 =	vshll.u32 v2, $0x5;
	[sflag:s21] =	ssyncadd.s32 $0xFFFFC000  }
0x8d: {  	v32 =	vor.u32 v1, v2;
	_ =	swait.ge [sflag:s21], $0x4000  }
0x8e: {  	v6 =	vor.u32 $0x1E, v32;
	[sflag:s21] =	ssyncset.done $0x0  }
0x8f: {  	v11 =	vor.u32 $0x1B, v32;
	[sflag:s21] =	ssyncadd.s32 $0xFFFFC000  }
0x90: {  	v13 =	vor.u32 $0x1A, v32;
	_ =	swait.ge [sflag:s21], $0x4000  }
0x91: {  	v15 =	vor.u32 $0x19, v32;
	[sflag:s21] =	ssyncset.done $0x0  }
0x92: {  	v17 =	vor.u32 $0x18, v32;
	[sflag:s21] =	ssyncadd.s32 $0xFFFFC000  }
0x93: {  	v19 =	vor.u32 $0x17, v32;
	v2 =	vld.idx.msk [tilespmem:v6+s16+$0x0], $0xffff  }
0x94: {  	v21 =	vor.u32 $0x16, v32;
	v10 =	vld.idx.msk [tilespmem:v11+s16+$0x0], $0xffff  }
0x95: {  	v23 =	vor.u32 $0x15, v32;
	v12 =	vld.idx.msk [tilespmem:v13+s16+$0x0], $0xffff  }
0x96: {  	v25 =	vor.u32 $0x14, v32;
	v14 =	vld.idx.msk [tilespmem:v15+s16+$0x0], $0xffff  }
0x97: {  	v27 =	vor.u32 $0x13, v32;
	v16 =	vld.idx.msk [tilespmem:v17+s16+$0x0], $0xffff  }
0x98: {  	v31 =	vor.u32 $0x11, v32;
	v18 =	vld.idx.msk [tilespmem:v19+s16+$0x0], $0xffff  }
0x99: {  	v34 =	vor.u32 $0xF, v32;
	v20 =	vld.idx.msk [tilespmem:v21+s16+$0x0], $0xffff  }
0x9a: {  	v43 =	vor.u32 $0x4, v32;
	v22 =	vld.idx.msk [tilespmem:v23+s16+$0x0], $0xffff  }
0x9b: {  	v45 =	vor.u32 $0x3, v32;
	v24 =	vld.idx.msk [tilespmem:v25+s16+$0x0], $0xffff  }
0x9c: {  	v47 =	vor.u32 $0x2, v32;
	v26 =	vld.idx.msk [tilespmem:v27+s16+$0x0], $0xffff  }
0x9d: {  	v49 =	vor.u32 $0x1, v32;
	v30 =	vld.idx.msk [tilespmem:v31+s16+$0x0], $0xffff  }
0x9e: {  	v41 =	vld.idx.msk [tilespmem:v34+s16+$0x0], $0xffff  }
0x9f: {  	v7 =	vor.u32 $0x1D, v32;
	v51 =	vld.idx.msk [tilespmem:v43+s16+$0x0], $0xffff  }
0xa0: {  	v52 =	vld.idx.msk [tilespmem:v45+s16+$0x0], $0xffff  }
0xa1: {  	v53 =	vld.idx.msk [tilespmem:v47+s16+$0x0], $0xffff  }
0xa2: {  	v54 =	vld.idx.msk [tilespmem:v49+s16+$0x0], $0xffff  }
0xa3: {  	v55 =	vld.idx.msk [tilespmem:v32+s16+$0x0], $0xffff  }
0xa4: {  	v9 =	vor.u32 $0x1C, v32;
	[tilespmem:$0x1FFB0] =	vst v2;
	v2 =	vld.idx.msk [tilespmem:v7+s16+$0x0], $0xffff  }
0xa5: {  	v56 =	vld.idx.msk [tilespmem:v32+s15+$0x0], $0xffff  }
0xa6: {  	v57 =	vld.idx.msk [tilespmem:v32+s17+$0x0], $0xffff  }
0xa7: {  	v58 =	vld.idx.msk [tilespmem:v49+s15+$0x0], $0xffff  }
0xa8: {  	v49 =	vld.idx.msk [tilespmem:v49+s17+$0x0], $0xffff  }
0xa9: {  	[tilespmem:$0x1FFA0] =	vst v2;
	v2 =	vld.idx.msk [tilespmem:v9+s16+$0x0], $0xffff  }
0xaa: {  	v59 =	vld.idx.msk [tilespmem:v47+s15+$0x0], $0xffff  }
0xab: {  	v60 =	vor.u32 $0x9, v32;
	v47 =	vld.idx.msk [tilespmem:v47+s17+$0x0], $0xffff  }
0xac: {  	v8 =	vor.u32 $0x1F, v32;
	v29 =	vor.u32 $0x12, v32;
	v63 =	vor.u32 $0x7, v32;
	v62 =	vld.idx.msk [tilespmem:v45+s15+$0x0], $0xffff  }
0xad: {  	v33 =	vor.u32 $0x10, v32;
	v35 =	vor.u32 $0xE, v32;
	v61 =	vor.u32 $0x8, v32;
	v45 =	vld.idx.msk [tilespmem:v45+s17+$0x0], $0xffff  }
0xae: {  	v36 =	vor.u32 $0xD, v32;
	v37 =	vor.u32 $0xC, v32;
	v3 =	vld.idx.msk [tilespmem:v43+s15+$0x0], $0xffff;
	[tilespmem:$0x1FF90] =	vst v2;
	v2 =	vor.u32 $0x6, v32  }
0xaf: {  	v38 =	vor.u32 $0xB, v32;
	v40 =	vor.u32 $0xA, v32;
	v43 =	vld.idx.msk [tilespmem:v43+s17+$0x0], $0xffff;
	v32 =	vor.u32 $0x5, v32  }
0xb0: {  	v5 =	vld.idx.msk [tilespmem:v60+s16+$0x0], $0xffff;
	v55 =	vmul.f32 v55, v56  }
0xb1: {  	v4 =	vld.idx.msk [tilespmem:v63+s16+$0x0], $0xffff;
	v56 =	vmul.f32 v57, v56  }
0xb2: {  	v57 =	vld.idx.msk [tilespmem:v61+s16+$0x0], $0xffff;
	v54 =	vmul.f32 v54, v58;
	v55 =	vadd.f32 $0.0e+00, v55  }
0xb3: {  	v49 =	vmul.f32 v49, v58;
	v56 =	vadd.f32 $0.0e+00, v56;
	v58 =	vld.idx.msk [tilespmem:v2+s16+$0x0], $0xffff  }
0xb4: {  	v53 =	vmul.f32 v53, v59;
	v54 =	vadd.f32 v54, v55;
	v55 =	vld.idx.msk [tilespmem:v32+s16+$0x0], $0xffff  }
0xb5: {  	v47 =	vmul.f32 v47, v59;
	v49 =	vadd.f32 v49, v56;
	v56 =	vld.idx.msk [tilespmem:v32+s15+$0x0], $0xffff  }
0xb6: {  	v52 =	vmul.f32 v52, v62;
	v53 =	vadd.f32 v53, v54;
	v32 =	vld.idx.msk [tilespmem:v32+s17+$0x0], $0xffff  }
0xb7: {  	v45 =	vmul.f32 v45, v62;
	v47 =	vadd.f32 v47, v49;
	v49 =	vld.idx.msk [tilespmem:v2+s15+$0x0], $0xffff  }
0xb8: {  	v51 =	vmul.f32 v51, v3;
	v52 =	vadd.f32 v52, v53;
	v2 =	vld.idx.msk [tilespmem:v2+s17+$0x0], $0xffff  }
0xb9: {  	v3 =	vmul.f32 v43, v3;
	v43 =	vld.idx.msk [tilespmem:v63+s15+$0x0], $0xffff;
	v45 =	vadd.f32 v45, v47  }
0xba: {  	v62 =	vadd.f32 v51, v52;
	v51 =	vld.idx.msk [tilespmem:v63+s17+$0x0], $0xffff;
	v63 =	vmul.f32 v55, v56  }
0xbb: {  	v3 =	vadd.f32 v3, v45;
	v45 =	vld.idx.msk [tilespmem:v61+s15+$0x0], $0xffff;
	v32 =	vmul.f32 v32, v56  }
0xbc: {  	v53 =	vld.idx.msk [tilespmem:v61+s17+$0x0], $0xffff;
	v59 =	vmul.f32 v58, v49;
	v47 =	vadd.f32 v63, v62  }
0xbd: {  	v61 =	vld.idx.msk [tilespmem:v60+s15+$0x0], $0xffff;
	v2 =	vmul.f32 v2, v49;
	v3 =	vadd.f32 v32, v3  }
0xbe: {  	v50 =	vld.idx.msk [tilespmem:v40+s16+$0x0], $0xffff;
	v4 =	vmul.f32 v4, v43;
	v47 =	vadd.f32 v59, v47  }
0xbf: {  	v63 =	vld.idx.msk [tilespmem:v40+s15+$0x0], $0xffff;
	v2 =	vadd.f32 v2, v3  }
0xc0: {  	v48 =	vld.idx.msk [tilespmem:v38+s16+$0x0], $0xffff;
	v3 =	vmul.f32 v51, v43;
	v51 =	vmul.f32 v57, v45;
	v4 =	vadd.f32 v4, v47  }
0xc1: {  	v52 =	vld.idx.msk [tilespmem:v38+s15+$0x0], $0xffff  }
0xc2: {  	v46 =	vld.idx.msk [tilespmem:v37+s16+$0x0], $0xffff;
	v5 =	vmul.f32 v5, v61;
	v4 =	vadd.f32 v51, v4  }
0xc3: {  	v2 =	vadd.f32 v3, v2;
	v3 =	vmul.f32 v53, v45;
	v53 =	vld.idx.msk [tilespmem:v37+s15+$0x0], $0xffff  }
0xc4: {  	v44 =	vld.idx.msk [tilespmem:v36+s16+$0x0], $0xffff;
	v4 =	vadd.f32 v5, v4;
	v5 =	vmul.f32 v50, v63  }
0xc5: {  	v56 =	vld.idx.msk [tilespmem:v36+s15+$0x0], $0xffff  }
0xc6: {  	v42 =	vld.idx.msk [tilespmem:v35+s16+$0x0], $0xffff;
	v4 =	vadd.f32 v5, v4;
	v5 =	vmul.f32 v48, v52  }
0xc7: {  	v57 =	vld.idx.msk [tilespmem:v35+s15+$0x0], $0xffff  }
0xc8: {  	v62 =	vld.idx.msk [tilespmem:v60+s17+$0x0], $0xffff;
	v4 =	vadd.f32 v5, v4;
	v5 =	vmul.f32 v46, v53  }
0xc9: {  	v58 =	vld.idx.msk [tilespmem:v34+s15+$0x0], $0xffff  }
0xca: {  	v39 =	vld.idx.msk [tilespmem:v33+s16+$0x0], $0xffff;
	v4 =	vadd.f32 v5, v4;
	v5 =	vmul.f32 v44, v56  }
0xcb: {  	v60 =	vld.idx.msk [tilespmem:v33+s15+$0x0], $0xffff  }
0xcc: {  	v40 =	vld.idx.msk [tilespmem:v40+s17+$0x0], $0xffff;
	v4 =	vadd.f32 v5, v4;
	v5 =	vmul.f32 v42, v57  }
0xcd: {  	v2 =	vadd.f32 v3, v2;
	v3 =	vmul.f32 v62, v61;
	v61 =	vld.idx.msk [tilespmem:v31+s15+$0x0], $0xffff  }
0xce: {  	v28 =	vld.idx.msk [tilespmem:v29+s16+$0x0], $0xffff;
	v4 =	vadd.f32 v5, v4;
	v5 =	vmul.f32 v41, v58  }
0xcf: {  	v62 =	vld.idx.msk [tilespmem:v29+s15+$0x0], $0xffff  }
0xd0: {  	v38 =	vld.idx.msk [tilespmem:v38+s17+$0x0], $0xffff;
	v4 =	vadd.f32 v5, v4;
	v5 =	vmul.f32 v39, v60  }
0xd1: {  	v2 =	vadd.f32 v3, v2;
	v3 =	vmul.f32 v40, v63;
	v63 =	vld.idx.msk [tilespmem:v27+s15+$0x0], $0xffff  }
0xd2: {  	v55 =	vld.idx.msk [tilespmem:v37+s17+$0x0], $0xffff;
	v4 =	vadd.f32 v5, v4;
	v5 =	vmul.f32 v30, v61  }
0xd3: {  	v30 =	vld.idx.msk [tilespmem:v25+s15+$0x0], $0xffff  }
0xd4: {  	v36 =	vld.idx.msk [tilespmem:v36+s17+$0x0], $0xffff;
	v4 =	vadd.f32 v5, v4;
	v5 =	vmul.f32 v28, v62  }
0xd5: {  	v2 =	vadd.f32 v3, v2;
	v3 =	vmul.f32 v38, v52;
	v28 =	vld.idx.msk [tilespmem:v23+s15+$0x0], $0xffff  }
0xd6: {  	v35 =	vld.idx.msk [tilespmem:v35+s17+$0x0], $0xffff;
	v4 =	vadd.f32 v5, v4;
	v5 =	vmul.f32 v26, v63  }
0xd7: {  	v2 =	vadd.f32 v3, v2;
	v3 =	vmul.f32 v55, v53;
	v26 =	vld.idx.msk [tilespmem:v21+s15+$0x0], $0xffff  }
0xd8: {  	v59 =	vld.idx.msk [tilespmem:v34+s17+$0x0], $0xffff;
	v4 =	vadd.f32 v5, v4;
	v5 =	vmul.f32 v24, v30  }
0xd9: {  	v2 =	vadd.f32 v3, v2;
	v3 =	vmul.f32 v36, v56;
	v24 =	vld.idx.msk [tilespmem:v19+s15+$0x0], $0xffff  }
0xda: {  	v33 =	vld.idx.msk [tilespmem:v33+s17+$0x0], $0xffff;
	v4 =	vadd.f32 v5, v4;
	v5 =	vmul.f32 v22, v28  }
0xdb: {  	v2 =	vadd.f32 v3, v2;
	v3 =	vmul.f32 v35, v57;
	v22 =	vld.idx.msk [tilespmem:v17+s15+$0x0], $0xffff  }
0xdc: {  	v31 =	vld.idx.msk [tilespmem:v31+s17+$0x0], $0xffff;
	v4 =	vadd.f32 v5, v4;
	v5 =	vmul.f32 v20, v26  }
0xdd: {  	v2 =	vadd.f32 v3, v2;
	v3 =	vmul.f32 v59, v58;
	v20 =	vld.idx.msk [tilespmem:v15+s15+$0x0], $0xffff  }
0xde: {  	v29 =	vld.idx.msk [tilespmem:v29+s17+$0x0], $0xffff;
	v4 =	vadd.f32 v5, v4;
	v5 =	vmul.f32 v18, v24  }
0xdf: {  	v2 =	vadd.f32 v3, v2;
	v3 =	vmul.f32 v33, v60;
	v18 =	vld.idx.msk [tilespmem:v13+s15+$0x0], $0xffff  }
0xe0: {  	v27 =	vld.idx.msk [tilespmem:v27+s17+$0x0], $0xffff;
	v4 =	vadd.f32 v5, v4;
	v5 =	vmul.f32 v16, v22  }
0xe1: {  	v2 =	vadd.f32 v3, v2;
	v3 =	vmul.f32 v31, v61;
	v16 =	vld.idx.msk [tilespmem:v11+s15+$0x0], $0xffff  }
0xe2: {  	v4 =	vadd.f32 v5, v4;
	v5 =	vmul.f32 v14, v20  }
0xe3: {  	v25 =	vld.idx.msk [tilespmem:v25+s17+$0x0], $0xffff;
	v2 =	vadd.f32 v3, v2;
	v3 =	vmul.f32 v29, v62  }
0xe4: {  	v4 =	vadd.f32 v5, v4;
	v5 =	vmul.f32 v12, v18  }
0xe5: {  	v23 =	vld.idx.msk [tilespmem:v23+s17+$0x0], $0xffff;
	v2 =	vadd.f32 v3, v2  }
0xe6: {  	v3 =	vmul.f32 v27, v63;
	v21 =	vld.idx.msk [tilespmem:v21+s17+$0x0], $0xffff;
	v4 =	vadd.f32 v5, v4;
	v5 =	vmul.f32 v10, v16  }
0xe7: {  	v14 =	vld.idx.msk [tilespmem:v9+s15+$0x0], $0xffff  }
0xe8: {  	v2 =	vadd.f32 v3, v2;
	v3 =	vmul.f32 v25, v30;
	v4 =	vadd.f32 v5, v4;
	v5 =	vld [tilespmem:$0x1FF90]  }
0xe9: {  	v19 =	vld.idx.msk [tilespmem:v19+s17+$0x0], $0xffff  }
0xea: {  	v2 =	vadd.f32 v3, v2;
	v3 =	vmul.f32 v23, v28  }
0xeb: {  	v17 =	vld.idx.msk [tilespmem:v17+s17+$0x0], $0xffff  }
0xec: {  	v2 =	vadd.f32 v3, v2;
	v3 =	vmul.f32 v21, v26;
	v15 =	vld.idx.msk [tilespmem:v15+s17+$0x0], $0xffff  }
0xed: {  	v13 =	vld.idx.msk [tilespmem:v13+s17+$0x0], $0xffff;
	v5 =	vmul.f32 v5, v14  }
0xee: {  	v2 =	vadd.f32 v3, v2;
	v3 =	vmul.f32 v19, v24;
	v12 =	vld.idx.msk [tilespmem:v7+s15+$0x0], $0xffff  }
0xef: {  	v4 =	vadd.f32 v5, v4;
	v5 =	vld [tilespmem:$0x1FFA0]  }
0xf0: {  	v2 =	vadd.f32 v3, v2;
	v3 =	vmul.f32 v17, v22  }
0xf1: {  	v11 =	vld.idx.msk [tilespmem:v11+s17+$0x0], $0xffff  }
0xf2: {  	v0 =	vld.idx.msk [tilespmem:v8+s16+$0x0], $0xffff;
	v2 =	vadd.f32 v3, v2;
	v3 =	vmul.f32 v15, v20  }
0xf3: {  	v9 =	vld.idx.msk [tilespmem:v9+s17+$0x0], $0xffff  }
0xf4: {  	v2 =	vadd.f32 v3, v2;
	v3 =	vmul.f32 v13, v18;
	v7 =	vld.idx.msk [tilespmem:v7+s17+$0x0], $0xffff;
	v5 =	vmul.f32 v5, v12  }
0xf5: {  	v10 =	vld.idx.msk [tilespmem:v6+s15+$0x0], $0xffff  }
0xf6: {  	v2 =	vadd.f32 v3, v2;
	v3 =	vmul.f32 v11, v16;
	v4 =	vadd.f32 v5, v4;
	v5 =	vld [tilespmem:$0x1FFB0]  }
0xf7: {  	v6 =	vld.idx.msk [tilespmem:v6+s17+$0x0], $0xffff  }
0xf8: {  	v11 =	vld.idx.msk [tilespmem:v8+s15+$0x0], $0xffff;
	v2 =	vadd.f32 v3, v2;
	v3 =	vmul.f32 v9, v14  }
0xf9: {  	v8 =	vld.idx.msk [tilespmem:v8+s17+$0x0], $0xffff  }
0xfa: {  	s26 =	simm.s32 $0x10;
	v2 =	vadd.f32 v3, v2;
	v3 =	vmul.f32 v7, v12  }
0xfb: {  	v7 =	vmov s26;
	v5 =	vmul.f32 v5, v10  }
0xfc: {  	v7 =	vshll.u32 v7, $0x5;
	v6 =	vmul.f32 v6, v10;
	v3 =	vadd.f32 v3, v2  }
0xfd: {  	v46 =	vor.u32 v1, v7;
	v7 =	vmul.f32 v0, v11;
	v5 =	vadd.f32 v5, v4  }
0xfe: {  	v2 =	vor.u32 $0x1F, v46;
	v3 =	vadd.f32 v6, v3;
	v6 =	vmul.f32 v8, v11  }
0xff: {  	v4 =	vor.u32 $0x1E, v46;
	v5 =	vadd.f32 v7, v5  }
0x100: {  	s25 =	simm.s32 $0xEC00;
	v11 =	vor.u32 $0x1B, v46;
	v3 =	vadd.f32 v6, v3  }
0x101: {  	s26 =	simm.s32 $0xEE00;
	v13 =	vor.u32 $0x1A, v46;
	[tilespmem:s25+$0x0] =	vst v5  }
0x102: {  	v15 =	vor.u32 $0x19, v46;
	[tilespmem:s26+$0x0] =	vst v3  }
0x103: {  	v17 =	vor.u32 $0x18, v46;
	v63 =	vld.idx.msk [tilespmem:v2+s16+$0x0], $0xffff  }
0x104: {  	v19 =	vor.u32 $0x17, v46;
	v0 =	vld.idx.msk [tilespmem:v4+s16+$0x0], $0xffff  }
0x105: {  	v21 =	vor.u32 $0x16, v46;
	v10 =	vld.idx.msk [tilespmem:v11+s16+$0x0], $0xffff  }
0x106: {  	v23 =	vor.u32 $0x15, v46;
	v12 =	vld.idx.msk [tilespmem:v13+s16+$0x0], $0xffff  }
0x107: {  	v25 =	vor.u32 $0x14, v46;
	v14 =	vld.idx.msk [tilespmem:v15+s16+$0x0], $0xffff  }
0x108: {  	v27 =	vor.u32 $0x13, v46;
	v16 =	vld.idx.msk [tilespmem:v17+s16+$0x0], $0xffff  }
0x109: {  	v29 =	vor.u32 $0x12, v46;
	v18 =	vld.idx.msk [tilespmem:v19+s16+$0x0], $0xffff  }
0x10a: {  	v31 =	vor.u32 $0x11, v46;
	v20 =	vld.idx.msk [tilespmem:v21+s16+$0x0], $0xffff  }
0x10b: {  	v33 =	vor.u32 $0x10, v46;
	v22 =	vld.idx.msk [tilespmem:v23+s16+$0x0], $0xffff  }
0x10c: {  	v35 =	vor.u32 $0xF, v46;
	v24 =	vld.idx.msk [tilespmem:v25+s16+$0x0], $0xffff  }
0x10d: {  	v37 =	vor.u32 $0xE, v46;
	v26 =	vld.idx.msk [tilespmem:v27+s16+$0x0], $0xffff  }
0x10e: {  	v7 =	vor.u32 $0x1D, v46;
	v28 =	vld.idx.msk [tilespmem:v29+s16+$0x0], $0xffff  }
0x10f: {  	v39 =	vor.u32 $0xD, v46;
	v30 =	vld.idx.msk [tilespmem:v31+s16+$0x0], $0xffff  }
0x110: {  	v41 =	vor.u32 $0xC, v46;
	v32 =	vld.idx.msk [tilespmem:v33+s16+$0x0], $0xffff  }
0x111: {  	v43 =	vor.u32 $0xB, v46;
	v34 =	vld.idx.msk [tilespmem:v35+s16+$0x0], $0xffff  }
0x112: {  	v45 =	vor.u32 $0xA, v46;
	v36 =	vld.idx.msk [tilespmem:v37+s16+$0x0], $0xffff  }
0x113: {  	v9 =	vor.u32 $0x1C, v46;
	[tilespmem:$0x1FFC0] =	vst v0;
	v0 =	vld.idx.msk [tilespmem:v7+s16+$0x0], $0xffff  }
0x114: {  	v48 =	vor.u32 $0x9, v46;
	v38 =	vld.idx.msk [tilespmem:v39+s16+$0x0], $0xffff  }
0x115: {  	v50 =	vor.u32 $0x8, v46;
	v40 =	vld.idx.msk [tilespmem:v41+s16+$0x0], $0xffff  }
0x116: {  	v52 =	vor.u32 $0x7, v46;
	v42 =	vld.idx.msk [tilespmem:v43+s16+$0x0], $0xffff  }
0x117: {  	v54 =	vor.u32 $0x6, v46;
	v44 =	vld.idx.msk [tilespmem:v45+s16+$0x0], $0xffff  }
0x118: {  	v56 =	vor.u32 $0x5, v46;
	[tilespmem:$0x1FFD0] =	vst v0;
	v0 =	vld.idx.msk [tilespmem:v9+s16+$0x0], $0xffff  }
0x119: {  	v47 =	vld.idx.msk [tilespmem:v48+s16+$0x0], $0xffff  }
0x11a: {  	v49 =	vld.idx.msk [tilespmem:v50+s16+$0x0], $0xffff  }
0x11b: {  	v51 =	vld.idx.msk [tilespmem:v52+s16+$0x0], $0xffff  }
0x11c: {  	v57 =	vor.u32 $0x4, v46;
	v53 =	vld.idx.msk [tilespmem:v54+s16+$0x0], $0xffff  }
0x11d: {  	s28 =	simm.s32 $0x20;
	v58 =	vor.u32 $0x3, v46;
	v59 =	vor.u32 $0x2, v46;
	v60 =	vor.u32 $0x1, v46;
	v55 =	vld.idx.msk [tilespmem:v56+s16+$0x0], $0xffff;
	[tilespmem:$0x1FFE0] =	vst v0  }
.LBB2_4:
0x11e: {  	_ =	sdelay $0x2  }
0x11f: {  	v61 =	vld.idx.msk [tilespmem:v57+s16+$0x0], $0xffff  }
0x120: {  	v62 =	vld.idx.msk [tilespmem:v58+s16+$0x0], $0xffff  }
0x121: {  	v0 =	vld.idx.msk [tilespmem:v60+s16+$0x0], $0xffff  }
0x122: {  	v1 =	vld.idx.msk [tilespmem:v46+s16+$0x0], $0xffff  }
0x123: {  	v3 =	vld.idx.msk [tilespmem:v46+s15+$0x0], $0xffff  }
0x124: {  	v46 =	vld.idx.msk [tilespmem:v46+s17+$0x0], $0xffff  }
0x125: {  	v5 =	vld.idx.msk [tilespmem:v60+s15+$0x0], $0xffff  }
0x126: {  	v60 =	vld.idx.msk [tilespmem:v60+s17+$0x0], $0xffff  }
0x127: {  	v6 =	vld.idx.msk [tilespmem:v59+s15+$0x0], $0xffff  }
0x128: {  	[tilespmem:$0x1FF80] =	vst v63;
	v63 =	vld.idx.msk [tilespmem:v59+s16+$0x0], $0xffff  }
0x129: {  	v59 =	vld.idx.msk [tilespmem:v59+s17+$0x0], $0xffff;
	v1 =	vmul.f32 v1, v3  }
0x12a: {  	v8 =	vld.idx.msk [tilespmem:v58+s15+$0x0], $0xffff;
	v3 =	vmul.f32 v46, v3  }
0x12b: {  	v46 =	vld.idx.msk [tilespmem:v58+s17+$0x0], $0xffff;
	v0 =	vmul.f32 v0, v5;
	v1 =	vadd.f32 $0.0e+00, v1  }
0x12c: {  	v58 =	vld.idx.msk [tilespmem:v57+s15+$0x0], $0xffff;
	v5 =	vmul.f32 v60, v5;
	v3 =	vadd.f32 $0.0e+00, v3  }
0x12d: {  	v57 =	vld.idx.msk [tilespmem:v57+s17+$0x0], $0xffff;
	v0 =	vadd.f32 v0, v1;
	v1 =	vmul.f32 v63, v6  }
0x12e: {  	v60 =	vld.idx.msk [tilespmem:v56+s15+$0x0], $0xffff;
	v3 =	vadd.f32 v5, v3;
	v5 =	vmul.f32 v59, v6  }
0x12f: {  	v6 =	vld.idx.msk [tilespmem:v56+s17+$0x0], $0xffff;
	v0 =	vadd.f32 v1, v0;
	v1 =	vmul.f32 v62, v8  }
0x130: {  	v63 =	vld.idx.msk [tilespmem:v54+s15+$0x0], $0xffff;
	v3 =	vadd.f32 v5, v3;
	v5 =	vmul.f32 v46, v8  }
0x131: {  	v8 =	vld.idx.msk [tilespmem:v54+s17+$0x0], $0xffff;
	v0 =	vadd.f32 v1, v0;
	v1 =	vmul.f32 v61, v58  }
0x132: {  	v46 =	vld.idx.msk [tilespmem:v52+s15+$0x0], $0xffff;
	v3 =	vadd.f32 v5, v3;
	v5 =	vmul.f32 v57, v58  }
0x133: {  	v59 =	vld.idx.msk [tilespmem:v52+s17+$0x0], $0xffff;
	v0 =	vadd.f32 v1, v0;
	v1 =	vmul.f32 v55, v60  }
0x134: {  	v61 =	vld.idx.msk [tilespmem:v50+s15+$0x0], $0xffff;
	v3 =	vadd.f32 v5, v3;
	v5 =	vmul.f32 v6, v60  }
0x135: {  	v6 =	vld.idx.msk [tilespmem:v50+s17+$0x0], $0xffff;
	v0 =	vadd.f32 v1, v0;
	v1 =	vmul.f32 v53, v63  }
0x136: {  	v62 =	vld.idx.msk [tilespmem:v48+s15+$0x0], $0xffff;
	v3 =	vadd.f32 v5, v3;
	v5 =	vmul.f32 v8, v63  }
0x137: {  	v8 =	vld.idx.msk [tilespmem:v48+s17+$0x0], $0xffff;
	v0 =	vadd.f32 v1, v0;
	v1 =	vmul.f32 v51, v46  }
0x138: {  	v63 =	vld.idx.msk [tilespmem:v45+s15+$0x0], $0xffff;
	v3 =	vadd.f32 v5, v3;
	v5 =	vmul.f32 v59, v46  }
0x139: {  	v53 =	vld.idx.msk [tilespmem:v45+s17+$0x0], $0xffff;
	v0 =	vadd.f32 v1, v0;
	v1 =	vmul.f32 v49, v61  }
0x13a: {  	v55 =	vld.idx.msk [tilespmem:v43+s15+$0x0], $0xffff;
	v3 =	vadd.f32 v5, v3;
	v5 =	vmul.f32 v6, v61  }
0x13b: {  	v6 =	vld.idx.msk [tilespmem:v43+s17+$0x0], $0xffff;
	v0 =	vadd.f32 v1, v0;
	v1 =	vmul.f32 v47, v62  }
0x13c: {  	v56 =	vld.idx.msk [tilespmem:v41+s15+$0x0], $0xffff;
	v3 =	vadd.f32 v5, v3;
	v5 =	vmul.f32 v8, v62  }
0x13d: {  	v8 =	vld.idx.msk [tilespmem:v41+s17+$0x0], $0xffff;
	v0 =	vadd.f32 v1, v0;
	v1 =	vmul.f32 v44, v63  }
0x13e: {  	v57 =	vld.idx.msk [tilespmem:v39+s15+$0x0], $0xffff;
	v3 =	vadd.f32 v5, v3;
	v5 =	vmul.f32 v53, v63  }
0x13f: {  	v58 =	vld.idx.msk [tilespmem:v39+s17+$0x0], $0xffff;
	v0 =	vadd.f32 v1, v0;
	v1 =	vmul.f32 v42, v55  }
0x140: {  	v59 =	vld.idx.msk [tilespmem:v37+s15+$0x0], $0xffff;
	v3 =	vadd.f32 v5, v3;
	v5 =	vmul.f32 v6, v55  }
0x141: {  	v6 =	vld.idx.msk [tilespmem:v37+s17+$0x0], $0xffff;
	v0 =	vadd.f32 v1, v0;
	v1 =	vmul.f32 v40, v56  }
0x142: {  	v60 =	vld.idx.msk [tilespmem:v35+s15+$0x0], $0xffff;
	v3 =	vadd.f32 v5, v3;
	v5 =	vmul.f32 v8, v56  }
0x143: {  	v8 =	vld.idx.msk [tilespmem:v35+s17+$0x0], $0xffff;
	v0 =	vadd.f32 v1, v0;
	v1 =	vmul.f32 v38, v57  }
0x144: {  	v61 =	vld.idx.msk [tilespmem:v33+s15+$0x0], $0xffff;
	v3 =	vadd.f32 v5, v3;
	v5 =	vmul.f32 v58, v57  }
0x145: {  	v62 =	vld.idx.msk [tilespmem:v33+s17+$0x0], $0xffff;
	v0 =	vadd.f32 v1, v0;
	v1 =	vmul.f32 v36, v59  }
0x146: {  	v63 =	vld.idx.msk [tilespmem:v31+s15+$0x0], $0xffff;
	v3 =	vadd.f32 v5, v3;
	v5 =	vmul.f32 v6, v59  }
0x147: {  	v6 =	vld.idx.msk [tilespmem:v31+s17+$0x0], $0xffff;
	v0 =	vadd.f32 v1, v0;
	v1 =	vmul.f32 v34, v60  }
0x148: {  	v31 =	vld.idx.msk [tilespmem:v29+s15+$0x0], $0xffff;
	v3 =	vadd.f32 v5, v3;
	v5 =	vmul.f32 v8, v60  }
0x149: {  	v8 =	vld.idx.msk [tilespmem:v29+s17+$0x0], $0xffff;
	v0 =	vadd.f32 v1, v0;
	v1 =	vmul.f32 v32, v61  }
0x14a: {  	v29 =	vld.idx.msk [tilespmem:v27+s15+$0x0], $0xffff;
	v3 =	vadd.f32 v5, v3;
	v5 =	vmul.f32 v62, v61  }
0x14b: {  	v27 =	vld.idx.msk [tilespmem:v27+s17+$0x0], $0xffff;
	v0 =	vadd.f32 v1, v0;
	v1 =	vmul.f32 v30, v63  }
0x14c: {  	v30 =	vld.idx.msk [tilespmem:v25+s15+$0x0], $0xffff;
	v3 =	vadd.f32 v5, v3;
	v5 =	vmul.f32 v6, v63  }
0x14d: {  	v6 =	vld.idx.msk [tilespmem:v25+s17+$0x0], $0xffff;
	v0 =	vadd.f32 v1, v0;
	v1 =	vmul.f32 v28, v31  }
0x14e: {  	v25 =	vld.idx.msk [tilespmem:v23+s15+$0x0], $0xffff;
	v3 =	vadd.f32 v5, v3;
	v5 =	vmul.f32 v8, v31  }
0x14f: {  	v8 =	vld.idx.msk [tilespmem:v23+s17+$0x0], $0xffff;
	v0 =	vadd.f32 v1, v0;
	v1 =	vmul.f32 v26, v29  }
0x150: {  	v23 =	vld.idx.msk [tilespmem:v21+s15+$0x0], $0xffff;
	v3 =	vadd.f32 v5, v3;
	v5 =	vmul.f32 v27, v29  }
0x151: {  	v21 =	vld.idx.msk [tilespmem:v21+s17+$0x0], $0xffff;
	v0 =	vadd.f32 v1, v0;
	v1 =	vmul.f32 v24, v30  }
0x152: {  	v24 =	vld.idx.msk [tilespmem:v19+s15+$0x0], $0xffff;
	v3 =	vadd.f32 v5, v3;
	v5 =	vmul.f32 v6, v30  }
0x153: {  	v6 =	vld.idx.msk [tilespmem:v19+s17+$0x0], $0xffff;
	v0 =	vadd.f32 v1, v0;
	v1 =	vmul.f32 v22, v25  }
0x154: {  	v19 =	vld.idx.msk [tilespmem:v17+s15+$0x0], $0xffff;
	v3 =	vadd.f32 v5, v3;
	v5 =	vmul.f32 v8, v25  }
0x155: {  	v8 =	vld.idx.msk [tilespmem:v17+s17+$0x0], $0xffff;
	v0 =	vadd.f32 v1, v0;
	v1 =	vmul.f32 v20, v23  }
0x156: {  	v17 =	vld.idx.msk [tilespmem:v15+s15+$0x0], $0xffff;
	v3 =	vadd.f32 v5, v3;
	v5 =	vmul.f32 v21, v23  }
0x157: {  	v0 =	vadd.f32 v1, v0;
	v1 =	vmul.f32 v18, v24  }
0x158: {  	v18 =	vld.idx.msk [tilespmem:v13+s15+$0x0], $0xffff;
	v3 =	vadd.f32 v5, v3  }
0x159: {  	v5 =	vmul.f32 v6, v24;
	v6 =	vld.idx.msk [tilespmem:v13+s17+$0x0], $0xffff;
	v0 =	vadd.f32 v1, v0;
	v1 =	vmul.f32 v16, v19  }
0x15a: {  	v13 =	vld.idx.msk [tilespmem:v11+s15+$0x0], $0xffff  }
0x15b: {  	v0 =	vadd.f32 v1, v0;
	v1 =	vmul.f32 v14, v17;
	_ =	sdelay $0x1  }
0x15c: {  	v0 =	vadd.f32 v1, v0;
	v1 =	vmul.f32 v12, v18  }
0x15d: {  	v3 =	vadd.f32 v5, v3  }
0x15e: {  	v5 =	vmul.f32 v8, v19;
	v8 =	vld.idx.msk [tilespmem:v11+s17+$0x0], $0xffff;
	v0 =	vadd.f32 v1, v0;
	v1 =	vmul.f32 v10, v13  }
0x15f: {  	v11 =	vld.idx.msk [tilespmem:v9+s15+$0x0], $0xffff  }
0x160: {  	v0 =	vadd.f32 v1, v0;
	v1 =	vld [tilespmem:$0x1FFE0];
	_ =	sdelay $0x4  }
0x161: {  	v15 =	vld.idx.msk [tilespmem:v15+s17+$0x0], $0xffff;
	v1 =	vmul.f32 v1, v11  }
0x162: {  	v12 =	vld.idx.msk [tilespmem:v7+s15+$0x0], $0xffff  }
0x163: {  	v0 =	vadd.f32 v1, v0;
	v1 =	vld [tilespmem:$0x1FFD0];
	_ =	sdelay $0x2  }
0x164: {  	v3 =	vadd.f32 v5, v3;
	v5 =	vmul.f32 v15, v17  }
0x165: {  	v9 =	vld.idx.msk [tilespmem:v9+s17+$0x0], $0xffff  }
0x166: {  	v3 =	vadd.f32 v5, v3;
	v5 =	vmul.f32 v6, v18;
	v6 =	vld.idx.msk [tilespmem:v7+s17+$0x0], $0xffff;
	v1 =	vmul.f32 v1, v12  }
0x167: {  	v7 =	vld.idx.msk [tilespmem:v4+s15+$0x0], $0xffff  }
0x168: {  	v3 =	vadd.f32 v5, v3;
	v5 =	vmul.f32 v8, v13;
	v0 =	vadd.f32 v1, v0;
	v1 =	vld [tilespmem:$0x1FFC0];
	_ =	sdelay $0x1  }
0x169: {  	v3 =	vadd.f32 v5, v3;
	v5 =	vmul.f32 v9, v11  }
0x16a: {  	v8 =	vld.idx.msk [tilespmem:v2+s15+$0x0], $0xffff  }
0x16b: {  	v9 =	vld.idx.msk [tilespmem:v2+s17+$0x0], $0xffff;
	v2 =	vadd.f32 v5, v3;
	v3 =	vmul.f32 v6, v12  }
0x16c: {  	v4 =	vld.idx.msk [tilespmem:v4+s17+$0x0], $0xffff;
	v1 =	vmul.f32 v1, v7  }
0x16d: {  	v3 =	vadd.f32 v3, v2;
	v2 =	vld [tilespmem:$0x1FFF0]  }
0x16e: {  	v0 =	vadd.f32 v1, v0;
	v1 =	vld [tilespmem:$0x1FF80];
	_ =	sdelay $0x2  }
0x16f: {  	v5 =	vmov s28  }
0x170: {  	v4 =	vmul.f32 v4, v7;
	v5 =	vshll.u32 v5, $0x5  }
0x171: {  	v46 =	vor.u32 v2, v5;
	v1 =	vmul.f32 v1, v8  }
0x172: {  	v3 =	vadd.f32 v4, v3;
	v5 =	vmul.f32 v9, v8;
	v2 =	vor.u32 $0x1F, v46  }
0x173: {  	v4 =	vor.u32 $0x1E, v46;
	v0 =	vadd.f32 v1, v0  }
0x174: {  	s25 =	sadd.s32 $0x10, s25;
	v11 =	vor.u32 $0x1B, v46;
	v1 =	vadd.f32 v5, v3  }
0x175: {  	s26 =	sadd.s32 $0x10, s26;
	v13 =	vor.u32 $0x1A, v46;
	[tilespmem:s25+$0x0] =	vst v0  }
0x176: {  	v15 =	vor.u32 $0x19, v46;
	[tilespmem:s26+$0x0] =	vst v1  }
0x177: {  	v17 =	vor.u32 $0x18, v46;
	v63 =	vld.idx.msk [tilespmem:v2+s16+$0x0], $0xffff  }
0x178: {  	v19 =	vor.u32 $0x17, v46;
	v0 =	vld.idx.msk [tilespmem:v4+s16+$0x0], $0xffff  }
0x179: {  	v21 =	vor.u32 $0x16, v46;
	v10 =	vld.idx.msk [tilespmem:v11+s16+$0x0], $0xffff  }
0x17a: {  	v23 =	vor.u32 $0x15, v46;
	v12 =	vld.idx.msk [tilespmem:v13+s16+$0x0], $0xffff  }
0x17b: {  	v25 =	vor.u32 $0x14, v46;
	v14 =	vld.idx.msk [tilespmem:v15+s16+$0x0], $0xffff  }
0x17c: {  	v27 =	vor.u32 $0x13, v46;
	v16 =	vld.idx.msk [tilespmem:v17+s16+$0x0], $0xffff  }
0x17d: {  	v29 =	vor.u32 $0x12, v46;
	v18 =	vld.idx.msk [tilespmem:v19+s16+$0x0], $0xffff  }
0x17e: {  	v31 =	vor.u32 $0x11, v46;
	v20 =	vld.idx.msk [tilespmem:v21+s16+$0x0], $0xffff  }
0x17f: {  	v33 =	vor.u32 $0x10, v46;
	v22 =	vld.idx.msk [tilespmem:v23+s16+$0x0], $0xffff  }
0x180: {  	v35 =	vor.u32 $0xF, v46;
	v24 =	vld.idx.msk [tilespmem:v25+s16+$0x0], $0xffff  }
0x181: {  	v37 =	vor.u32 $0xE, v46;
	v26 =	vld.idx.msk [tilespmem:v27+s16+$0x0], $0xffff  }
0x182: {  	v7 =	vor.u32 $0x1D, v46;
	v28 =	vld.idx.msk [tilespmem:v29+s16+$0x0], $0xffff  }
0x183: {  	v39 =	vor.u32 $0xD, v46;
	v30 =	vld.idx.msk [tilespmem:v31+s16+$0x0], $0xffff  }
0x184: {  	v41 =	vor.u32 $0xC, v46;
	v32 =	vld.idx.msk [tilespmem:v33+s16+$0x0], $0xffff  }
0x185: {  	v43 =	vor.u32 $0xB, v46;
	v34 =	vld.idx.msk [tilespmem:v35+s16+$0x0], $0xffff  }
0x186: {  	v45 =	vor.u32 $0xA, v46;
	v36 =	vld.idx.msk [tilespmem:v37+s16+$0x0], $0xffff  }
0x187: {  	v9 =	vor.u32 $0x1C, v46;
	[tilespmem:$0x1FFC0] =	vst v0;
	v0 =	vld.idx.msk [tilespmem:v7+s16+$0x0], $0xffff  }
0x188: {  	v48 =	vor.u32 $0x9, v46;
	v38 =	vld.idx.msk [tilespmem:v39+s16+$0x0], $0xffff  }
0x189: {  	v50 =	vor.u32 $0x8, v46;
	v40 =	vld.idx.msk [tilespmem:v41+s16+$0x0], $0xffff  }
0x18a: {  	v52 =	vor.u32 $0x7, v46;
	v42 =	vld.idx.msk [tilespmem:v43+s16+$0x0], $0xffff  }
0x18b: {  	v54 =	vor.u32 $0x6, v46;
	v44 =	vld.idx.msk [tilespmem:v45+s16+$0x0], $0xffff  }
0x18c: {  	p0 =	sne.s32 s28, $0x1F0;
	v56 =	vor.u32 $0x5, v46;
	[tilespmem:$0x1FFD0] =	vst v0;
	v0 =	vld.idx.msk [tilespmem:v9+s16+$0x0], $0xffff  }
.Ltmp1:
0x18d: {  	v47 =	vld.idx.msk [tilespmem:v48+s16+$0x0], $0xffff;
	(pc) =	sbr.rel @p0 .LBB2_4-.Ltmp1, $4  }
0x18e: {  	v49 =	vld.idx.msk [tilespmem:v50+s16+$0x0], $0xffff  }
0x18f: {  	v51 =	vld.idx.msk [tilespmem:v52+s16+$0x0], $0xffff  }
0x190: {  	v57 =	vor.u32 $0x4, v46;
	v53 =	vld.idx.msk [tilespmem:v54+s16+$0x0], $0xffff  }
0x191: {  	s28 =	sadd.s32 $0x10, s28;
	v58 =	vor.u32 $0x3, v46;
	v59 =	vor.u32 $0x2, v46;
	v60 =	vor.u32 $0x1, v46;
	v55 =	vld.idx.msk [tilespmem:v56+s16+$0x0], $0xffff;
	[tilespmem:$0x1FFE0] =	vst v0  }
0x192: {  	_ =	sdelay $0x3  }
0x193: {  	v0 =	vld.idx.msk [tilespmem:v59+s16+$0x0], $0xffff  }
0x194: {  	v1 =	vld.idx.msk [tilespmem:v60+s16+$0x0], $0xffff  }
0x195: {  	v3 =	vld.idx.msk [tilespmem:v46+s16+$0x0], $0xffff  }
0x196: {  	v5 =	vld.idx.msk [tilespmem:v46+s15+$0x0], $0xffff  }
0x197: {  	v6 =	vld.idx.msk [tilespmem:v46+s17+$0x0], $0xffff  }
0x198: {  	v8 =	vld.idx.msk [tilespmem:v60+s15+$0x0], $0xffff  }
0x199: {  	v46 =	vld.idx.msk [tilespmem:v60+s17+$0x0], $0xffff  }
0x19a: {  	v60 =	vld.idx.msk [tilespmem:v59+s15+$0x0], $0xffff  }
0x19b: {  	v59 =	vld.idx.msk [tilespmem:v59+s17+$0x0], $0xffff  }
0x19c: {  	v61 =	vld.idx.msk [tilespmem:v58+s16+$0x0], $0xffff  }
0x19d: {  	v62 =	vld.idx.msk [tilespmem:v58+s15+$0x0], $0xffff  }
0x19e: {  	v3 =	vmul.f32 v3, v5;
	v5 =	vmul.f32 v6, v5;
	v6 =	vld.idx.msk [tilespmem:v58+s17+$0x0], $0xffff  }
0x19f: {  	v58 =	vld.idx.msk [tilespmem:v57+s16+$0x0], $0xffff  }
0x1a0: {  	v1 =	vmul.f32 v1, v8;
	v8 =	vmul.f32 v46, v8;
	v46 =	vld.idx.msk [tilespmem:v57+s15+$0x0], $0xffff;
	v3 =	vadd.f32 $0.0e+00, v3  }
0x1a1: {  	v5 =	vadd.f32 $0.0e+00, v5  }
0x1a2: {  	v1 =	vadd.f32 v1, v3;
	v3 =	vld.idx.msk [tilespmem:v57+s17+$0x0], $0xffff  }
0x1a3: {  	v0 =	vmul.f32 v0, v60;
	v5 =	vadd.f32 v8, v5;
	v8 =	vmul.f32 v59, v60;
	v60 =	vld.idx.msk [tilespmem:v56+s15+$0x0], $0xffff  }
0x1a4: {  	v61 =	vmul.f32 v61, v62;
	v57 =	vld.idx.msk [tilespmem:v45+s15+$0x0], $0xffff  }
0x1a5: {  	v6 =	vmul.f32 v6, v62;
	v62 =	vmul.f32 v58, v46;
	v58 =	vld.idx.msk [tilespmem:v52+s17+$0x0], $0xffff  }
0x1a6: {  	v0 =	vadd.f32 v0, v1;
	v1 =	vld.idx.msk [tilespmem:v56+s17+$0x0], $0xffff  }
0x1a7: {  	v5 =	vadd.f32 v8, v5;
	v8 =	vld.idx.msk [tilespmem:v54+s15+$0x0], $0xffff  }
0x1a8: {  	v54 =	vld.idx.msk [tilespmem:v54+s17+$0x0], $0xffff  }
0x1a9: {  	v56 =	vld.idx.msk [tilespmem:v48+s17+$0x0], $0xffff;
	v0 =	vadd.f32 v61, v0  }
0x1aa: {  	v5 =	vadd.f32 v6, v5;
	v6 =	vld.idx.msk [tilespmem:v52+s15+$0x0], $0xffff;
	v3 =	vmul.f32 v3, v46  }
0x1ab: {  	v61 =	vld.idx.msk [tilespmem:v50+s17+$0x0], $0xffff;
	v59 =	vmul.f32 v55, v60;
	v0 =	vadd.f32 v62, v0  }
0x1ac: {  	v3 =	vadd.f32 v3, v5;
	v1 =	vmul.f32 v1, v60;
	v60 =	vld.idx.msk [tilespmem:v50+s15+$0x0], $0xffff  }
0x1ad: {  	v52 =	vld.idx.msk [tilespmem:v39+s17+$0x0], $0xffff;
	v62 =	vmul.f32 v53, v8;
	v0 =	vadd.f32 v59, v0  }
0x1ae: {  	v55 =	vld.idx.msk [tilespmem:v48+s15+$0x0], $0xffff;
	v1 =	vadd.f32 v1, v3;
	v3 =	vmul.f32 v54, v8  }
0x1af: {  	v46 =	vld.idx.msk [tilespmem:v17+s17+$0x0], $0xffff;
	v51 =	vmul.f32 v51, v6;
	v0 =	vadd.f32 v62, v0  }
0x1b0: {  	v48 =	vld.idx.msk [tilespmem:v15+s17+$0x0], $0xffff;
	v1 =	vadd.f32 v3, v1;
	v3 =	vmul.f32 v58, v6  }
0x1b1: {  	v58 =	vld.idx.msk [tilespmem:v45+s17+$0x0], $0xffff;
	v0 =	vadd.f32 v51, v0;
	v59 =	vmul.f32 v49, v60  }
0x1b2: {  	v1 =	vadd.f32 v3, v1;
	v3 =	vmul.f32 v61, v60;
	v60 =	vld.idx.msk [tilespmem:v43+s15+$0x0], $0xffff  }
0x1b3: {  	v62 =	vmul.f32 v47, v55;
	v61 =	vld.idx.msk [tilespmem:v43+s17+$0x0], $0xffff;
	v0 =	vadd.f32 v59, v0  }
0x1b4: {  	v49 =	vld.idx.msk [tilespmem:v41+s15+$0x0], $0xffff;
	v1 =	vadd.f32 v3, v1;
	v3 =	vmul.f32 v56, v55  }
0x1b5: {  	v44 =	vmul.f32 v44, v57;
	v50 =	vld.idx.msk [tilespmem:v41+s17+$0x0], $0xffff;
	v0 =	vadd.f32 v62, v0  }
0x1b6: {  	v51 =	vld.idx.msk [tilespmem:v39+s15+$0x0], $0xffff;
	v1 =	vadd.f32 v3, v1;
	v3 =	vmul.f32 v58, v57  }
0x1b7: {  	v53 =	vld.idx.msk [tilespmem:v37+s15+$0x0], $0xffff;
	v0 =	vadd.f32 v44, v0;
	v42 =	vmul.f32 v42, v60  }
0x1b8: {  	v54 =	vld.idx.msk [tilespmem:v37+s17+$0x0], $0xffff;
	v1 =	vadd.f32 v3, v1;
	v3 =	vmul.f32 v61, v60  }
0x1b9: {  	v37 =	vld.idx.msk [tilespmem:v25+s15+$0x0], $0xffff;
	v40 =	vmul.f32 v40, v49;
	v0 =	vadd.f32 v42, v0  }
0x1ba: {  	v55 =	vld.idx.msk [tilespmem:v35+s15+$0x0], $0xffff;
	v1 =	vadd.f32 v3, v1;
	v3 =	vmul.f32 v50, v49  }
0x1bb: {  	v56 =	vld.idx.msk [tilespmem:v35+s17+$0x0], $0xffff;
	v38 =	vmul.f32 v38, v51;
	v0 =	vadd.f32 v40, v0  }
0x1bc: {  	v57 =	vld.idx.msk [tilespmem:v33+s15+$0x0], $0xffff;
	v1 =	vadd.f32 v3, v1;
	v3 =	vmul.f32 v52, v51  }
0x1bd: {  	v36 =	vmul.f32 v36, v53;
	v58 =	vld.idx.msk [tilespmem:v33+s17+$0x0], $0xffff;
	v0 =	vadd.f32 v38, v0  }
0x1be: {  	v59 =	vld.idx.msk [tilespmem:v31+s15+$0x0], $0xffff;
	v1 =	vadd.f32 v3, v1;
	v3 =	vmul.f32 v54, v53  }
0x1bf: {  	v60 =	vld.idx.msk [tilespmem:v31+s17+$0x0], $0xffff;
	v34 =	vmul.f32 v34, v55;
	v0 =	vadd.f32 v36, v0  }
0x1c0: {  	v61 =	vld.idx.msk [tilespmem:v29+s15+$0x0], $0xffff;
	v1 =	vadd.f32 v3, v1;
	v3 =	vmul.f32 v56, v55  }
0x1c1: {  	v62 =	vld.idx.msk [tilespmem:v29+s17+$0x0], $0xffff;
	v32 =	vmul.f32 v32, v57;
	v0 =	vadd.f32 v34, v0  }
0x1c2: {  	v35 =	vld.idx.msk [tilespmem:v27+s15+$0x0], $0xffff;
	v1 =	vadd.f32 v3, v1;
	v3 =	vmul.f32 v58, v57  }
0x1c3: {  	v30 =	vmul.f32 v30, v59;
	v36 =	vld.idx.msk [tilespmem:v27+s17+$0x0], $0xffff;
	v0 =	vadd.f32 v32, v0  }
0x1c4: {  	v47 =	vld.idx.msk [tilespmem:v15+s15+$0x0], $0xffff;
	v1 =	vadd.f32 v3, v1;
	v3 =	vmul.f32 v60, v59  }
0x1c5: {  	v38 =	vld.idx.msk [tilespmem:v25+s17+$0x0], $0xffff;
	v28 =	vmul.f32 v28, v61;
	v0 =	vadd.f32 v30, v0  }
0x1c6: {  	v39 =	vld.idx.msk [tilespmem:v23+s15+$0x0], $0xffff;
	v1 =	vadd.f32 v3, v1;
	v3 =	vmul.f32 v62, v61  }
0x1c7: {  	v26 =	vmul.f32 v26, v35;
	v40 =	vld.idx.msk [tilespmem:v23+s17+$0x0], $0xffff;
	v0 =	vadd.f32 v28, v0  }
0x1c8: {  	v41 =	vld.idx.msk [tilespmem:v21+s15+$0x0], $0xffff;
	v1 =	vadd.f32 v3, v1;
	v3 =	vmul.f32 v36, v35  }
0x1c9: {  	v24 =	vmul.f32 v24, v37;
	v42 =	vld.idx.msk [tilespmem:v21+s17+$0x0], $0xffff;
	v0 =	vadd.f32 v26, v0  }
0x1ca: {  	v43 =	vld.idx.msk [tilespmem:v19+s15+$0x0], $0xffff;
	v1 =	vadd.f32 v3, v1;
	v3 =	vmul.f32 v38, v37  }
0x1cb: {  	v22 =	vmul.f32 v22, v39;
	v44 =	vld.idx.msk [tilespmem:v19+s17+$0x0], $0xffff;
	v0 =	vadd.f32 v24, v0  }
0x1cc: {  	v45 =	vld.idx.msk [tilespmem:v17+s15+$0x0], $0xffff;
	v1 =	vadd.f32 v3, v1;
	v3 =	vmul.f32 v40, v39  }
0x1cd: {  	v20 =	vmul.f32 v20, v41;
	v49 =	vld.idx.msk [tilespmem:v13+s15+$0x0], $0xffff;
	v0 =	vadd.f32 v22, v0  }
0x1ce: {  	v50 =	vld.idx.msk [tilespmem:v13+s17+$0x0], $0xffff;
	v1 =	vadd.f32 v3, v1;
	v3 =	vmul.f32 v42, v41  }
0x1cf: {  	v18 =	vmul.f32 v18, v43;
	v51 =	vld.idx.msk [tilespmem:v11+s15+$0x0], $0xffff;
	v0 =	vadd.f32 v20, v0  }
0x1d0: {  	v52 =	vld.idx.msk [tilespmem:v11+s17+$0x0], $0xffff;
	v1 =	vadd.f32 v3, v1;
	v3 =	vmul.f32 v44, v43  }
0x1d1: {  	v16 =	vmul.f32 v16, v45;
	v53 =	vld.idx.msk [tilespmem:v9+s15+$0x0], $0xffff;
	v0 =	vadd.f32 v18, v0  }
0x1d2: {  	v54 =	vld.idx.msk [tilespmem:v9+s17+$0x0], $0xffff;
	v1 =	vadd.f32 v3, v1;
	v3 =	vmul.f32 v46, v45  }
0x1d3: {  	v14 =	vmul.f32 v14, v47;
	v55 =	vld.idx.msk [tilespmem:v7+s15+$0x0], $0xffff;
	v0 =	vadd.f32 v16, v0  }
0x1d4: {  	v59 =	vld [tilespmem:$0x1FFE0];
	v1 =	vadd.f32 v3, v1;
	v3 =	vmul.f32 v48, v47  }
0x1d5: {  	v12 =	vmul.f32 v12, v49;
	v56 =	vld.idx.msk [tilespmem:v7+s17+$0x0], $0xffff;
	v0 =	vadd.f32 v14, v0  }
0x1d6: {  	v61 =	vld [tilespmem:$0x1FFD0];
	v1 =	vadd.f32 v3, v1;
	v3 =	vmul.f32 v50, v49  }
0x1d7: {  	v10 =	vmul.f32 v10, v51;
	v57 =	vld.idx.msk [tilespmem:v4+s15+$0x0], $0xffff;
	v0 =	vadd.f32 v12, v0  }
0x1d8: {  	v62 =	vld [tilespmem:$0x1FFC0];
	v1 =	vadd.f32 v3, v1;
	v3 =	vmul.f32 v52, v51  }
0x1d9: {  	v58 =	vld.idx.msk [tilespmem:v4+s17+$0x0], $0xffff;
	v0 =	vadd.f32 v10, v0;
	v10 =	vmul.f32 v59, v53  }
0x1da: {  	v60 =	vld.idx.msk [tilespmem:v2+s15+$0x0], $0xffff;
	v1 =	vadd.f32 v3, v1;
	v3 =	vmul.f32 v54, v53  }
0x1db: {  	v2 =	vld.idx.msk [tilespmem:v2+s17+$0x0], $0xffff;
	v9 =	vmul.f32 v61, v55;
	v0 =	vadd.f32 v10, v0  }
0x1dc: {  	v1 =	vadd.f32 v3, v1;
	v3 =	vmul.f32 v56, v55  }
0x1dd: {  	v5 =	vmul.f32 v62, v57;
	v0 =	vadd.f32 v9, v0  }
0x1de: {  	v1 =	vadd.f32 v3, v1;
	v3 =	vmul.f32 v58, v57  }
0x1df: {  	v63 =	vmul.f32 v63, v60;
	v0 =	vadd.f32 v5, v0  }
0x1e0: {  	v2 =	vmul.f32 v2, v60;
	v1 =	vadd.f32 v3, v1  }
0x1e1: {  	v0 =	vadd.f32 v63, v0  }
0x1e2: {  	s25 =	sadd.s32 $0x10, s25;
	v1 =	vadd.f32 v2, v1  }
0x1e3: {  	s28 =	sadd.s32 $0x10, s26;
	[tilespmem:s25+$0x0] =	vst v0  }
0x1e4: {  	[tilespmem:s28+$0x0] =	vst v1  }
0x1e5: {  	[hbm4b:s8+s2] =	stream.linear.scatter [tilespmem:s22], [sflag:$0x2], $0x200, $0x38;
	[tilespmem:$0xF000] =	vst v63  }
0x1e6: {  	s24 =	sadd.s32 $0x1, s24;
	_ =	swait.ge [sflag:s11], $0x200  }
0x1e7: {  	p0 =	sne.s32 s24, s10;
	[sflag:s11] =	ssyncset.done $0x0  }
.Ltmp2:
0x1e8: {  	[sflag:s11] =	ssyncadd.s32 $0xFFFFFE00;
	(pc) =	sbr.rel @p0 .LBB2_1-.Ltmp2, $4  }
0x1e9: {  	[hbm4b:s9+s2] =	stream.linear.scatter [tilespmem:s23], [sflag:$0x2], $0x200, $0x38;
	[tilespmem:$0xF000] =	vst v63  }
0x1ea: {  	_ =	swait.ge [sflag:s11], $0x200  }
0x1eb: {  	[sflag:s11] =	ssyncset.done $0x0  }
0x1ec: {  	v0 =	vimm.f32 $0.0e+00;
	v1 =	vld [tilespmem:$0x1FFF0];
	[sflag:s11] =	ssyncadd.s32 $0xFFFFFE00  }
0x1ed: {  	_ =	sfence.sel $0x180000  }
0x1ee: {  	[bflag:$0x0] =	sbarrier.arrive $0xFFFF  }
0x1ef: {  	_ =	strace $0x90000047  }
0x1f0: {  	s0 =	stileid.u32;
	[bflag:$0x2] =	sbarrier.arrive $0xFFFF  }
0x1f1: {  	p0 =	sne.s32 s0, $0x0;
	s0 =	rddreg [dreg:$0x5]  }
0x1f2: {  	s0 =	sadd.s32 @!p0 $0x100000, s0  }
0x1f3: {  	[sflag:s0] =	ssyncadd.tile.s32 @!p0 $0x1;
	_ =	shalt  }
.Lfunc_end2:
_tile_overlayer_lowered:
.L_overlay_start_2:
0x1f4: {  	(tag) =	ssettag $0x2  }
0x1f5: {  	s0 =	rddreg [dreg:$0x0];
	s2 =	stileid.u32  }
0x1f6: {  	s1 =	rddreg [dreg:$0x1];
	p0 =	sne.s32 s2, $0x0  }
0x1f7: {  	s3 =	rddreg [dreg:$0x2];
	[bflag:$0x3] =	sbarrier.arrive $0xFFFF;
	s2 =	simm.s32 @!p0 $0x1C02  }
0x1f8: {  	[timem:s3], [sflag:s2] =	dma.local @!p0 [hbm:s0], s1  }
0x1f9: {  	s0 =	simm.s32 @!p0 $0x2  }
0x1fa: {  	_ =	swait.ge @!p0 [sflag:s0], s1  }
0x1fb: {  	s1 =	ssub.s32 @!p0 $0x0, s1;
	[sflag:s0] =	ssyncset.done @!p0 $0x0  }
0x1fc: {  	[sflag:s0] =	ssyncadd.s32 @!p0 s1  }
0x1fd: {  	[bflag:$0x3] =	sbarrier.arrive $0xFFFF  }
0x1fe: {  	_ =	shalt  }

</sc_bundles>
